<compile_context>
chip_gen: v7x
topology: tpu7x:2x2x1
jax: 0.10.2.dev20260603
libtpu: 0.0.44.dev20260713+nightly
codegen_flags: <defaults>
</compile_context>

<pallas_src>
import functools
import math

import jax
import jax.numpy as jnp
from jax import lax
from jax.experimental import pallas as pl
from jax.experimental.pallas import tpu as pltpu
from jax.experimental.pallas import tpu_sc as plsc

_L = 16
_NW = 32
_CHUNK = 128

_PARAMS = pltpu.CompilerParams(use_tc_tiling_on_sc=True,
                               needs_layout_passes=False)


def _mesh():
    return plsc.VectorSubcoreMesh(core_axis_name="c", subcore_axis_name="s")


@functools.lru_cache(maxsize=None)
def _build_lookup(seq: int, batch: int, vocab: int, dim: int):
    assert batch % _CHUNK == 0 and dim % _L == 0
    n_chunks = (seq * batch) // _CHUNK
    cpw = n_chunks // _NW
    cps = batch // _CHUNK
    scale = math.sqrt(dim)
    nk = dim // _L

    @functools.partial(
        pl.kernel,
        out_type=jax.ShapeDtypeStruct((n_chunks, _CHUNK, dim), jnp.float32),
        mesh=_mesh(),
        compiler_params=_PARAMS,
        scratch_types=[
            pltpu.VMEM((cpw, _CHUNK), jnp.int32),
            pltpu.VMEM((16, dim), jnp.float32),
            pltpu.VMEM((4, _CHUNK, 2 * dim), jnp.float32),
            pltpu.VMEM((2, _CHUNK, dim), jnp.float32),
            pltpu.SemaphoreType.DMA,
            pltpu.SemaphoreType.DMA,
            pltpu.SemaphoreType.DMA,
        ],
    )
    def lookup(x_hbm, tp_hbm, pe_hbm, out_hbm,
               idx_v, pe_v, gbuf, obuf, ssem, gsem, osem):
        wid = lax.axis_index("s") * 2 + lax.axis_index("c")
        base_c = pl.multiple_of(wid * cpw, 8)
        s0 = base_c // cps
        start8 = pl.multiple_of(
            lax.min((s0 // 8) * 8, jnp.int32(seq - 16)), 8)

        pltpu.make_async_copy(x_hbm.at[pl.ds(base_c, cpw)], idx_v,
                              ssem).start()
        pltpu.make_async_copy(pe_hbm.at[pl.ds(start8, 16)], pe_v,
                              ssem).start()
        pltpu.make_async_copy(x_hbm.at[pl.ds(base_c, cpw)], idx_v,
                              ssem).wait()
        pltpu.make_async_copy(pe_hbm.at[pl.ds(start8, 16)], pe_v,
                              ssem).wait()

        def gather(t, slot):
            return pltpu.make_async_copy(
                tp_hbm.at[idx_v.at[t]], gbuf.at[slot], gsem)

        def put(t, slot):
            return pltpu.make_async_copy(
                obuf.at[slot], out_hbm.at[base_c + t], osem)

        for b in range(4):
            gather(b, b).start()

        def step(t, carry):
            slot = lax.rem(t, 4)
            oslot = lax.rem(t, 2)
            gather(t, slot).wait()

            @pl.when(t >= 2)
            def _():
                put(t, oslot).wait()

            s_loc = (base_c + t) // cps - start8
            pe_regs = [pe_v[s_loc, pl.ds(k * _L, _L)] for k in range(nk)]
            g_ref = gbuf.at[slot]
            o_ref = obuf.at[oslot]

            def row(i, c2):
                for k in range(nk):
                    sl = pl.ds(k * _L, _L)
                    o_ref[i, sl] = g_ref[i, sl] * scale + pe_regs[k]
                return c2
            lax.fori_loop(0, _CHUNK, row, 0, unroll=2)

            put(t, oslot).start()

            @pl.when(t + 4 < cpw)
            def _():
                gather(t + 4, slot).start()
            return carry

        lax.fori_loop(0, cpw, step, 0)
        put(cpw - 2, lax.rem(cpw - 2, 2)).wait()
        put(cpw - 1, lax.rem(cpw - 1, 2)).wait()

    return lookup


def kernel(x, table, pe, pos):
    seq, batch = x.shape
    vocab, dim = table.shape
    tp = jnp.pad(lax.optimization_barrier(table), ((0, 0), (0, dim)))
    pe_rows = lax.dynamic_slice_in_dim(pe, pos, seq, axis=0).reshape(seq, dim)
    x2 = x.astype(jnp.int32).reshape((seq * batch) // _CHUNK, _CHUNK)
    out = _build_lookup(seq, batch, vocab, dim)(x2, tp, pe_rows)
    return out.reshape(seq, batch, dim)

# --- scband reference (transcript-rebuilt; emitter-appended) ---
"""Pipeline reference for scband-embedding-25563645346777 (READ-ONLY COPY).

The authoritative reference and input builder live on the scoring server;
editing this copy changes nothing except your own understanding.
"""

import jax, jax.numpy as jnp
import numpy as np

VOCAB = 1000000
DIM = 64
MAX_LEN = 1024
PAD = 0
SEQ = 200
BATCH = 4096


def make_pe():
    pe = np.zeros((MAX_LEN, DIM), dtype=np.float32)
    position = np.arange(0, MAX_LEN, dtype=np.float32)[:, None]
    div_term = np.exp(np.arange(0, DIM, 2).astype(np.float32) * (-np.log(10000.0) / DIM))
    pe[:, 0::2] = np.sin(position * div_term)
    pe[:, 1::2] = np.cos(position * div_term)
    # unsqueeze(0).transpose(0,1) -> [max_len, 1, dim]
    return jnp.asarray(pe[:, None, :])


def setup_inputs(seed: int = 0) -> dict:
    key = jax.random.key(seed)
    k1, k2 = jax.random.split(key)
    x = jax.random.randint(k1, (SEQ, BATCH), 0, VOCAB, dtype=jnp.int64 if jax.config.jax_enable_x64 else jnp.int32)
    table = jax.random.normal(k2, (VOCAB, DIM), dtype=jnp.float32) * 0.02
    table = table.at[PAD].set(0.0)  # padding_idx row is zero
    pe = make_pe()
    return {"x": x, "table": table, "pe": pe, "pos": 0}


def reference(x, table, pe, pos=0):
    # emb(x) * sqrt(dim)
    emb = jnp.take(table, x, axis=0) * (DIM ** 0.5)
    # add positional encoding; pe is [max_len, 1, dim], broadcasts over batch
    out = emb + jax.lax.dynamic_slice_in_dim(pe, pos, x.shape[0], axis=0)
    # dropout is identity in eval/reference mode
    return out

if __name__ == "__main__":
    import jax
    _d = setup_inputs()
    print(jax.jit(kernel)(*tuple(_d.values())))

</pallas_src>

<mosaic_0001>
#map = affine_map<(d0, d1) -> (0, 0)>
#map1 = affine_map<(d0, d1) -> (0, 0, 0)>
module attributes {stable_mosaic.version = 14 : i64} {
  func.func @lookup(%arg0: i32, %arg1: i32, %arg2: memref<6400x128xi32, #tpu.memory_space<hbm>>, %arg3: memref<1000000x128xf32, #tpu.memory_space<hbm>>, %arg4: memref<200x64xf32, #tpu.memory_space<hbm>>, %arg5: memref<6400x128x64xf32, #tpu.memory_space<hbm>>, %arg6: memref<200x128xi32, #tpu.memory_space<vmem>>, %arg7: memref<16x64xf32, #tpu.memory_space<vmem>>, %arg8: memref<4x128x128xf32, #tpu.memory_space<vmem>>, %arg9: memref<2x128x64xf32, #tpu.memory_space<vmem>>, %arg10: memref<!tpu.dma_semaphore, #tpu.memory_space<semaphore_mem>>, %arg11: memref<!tpu.dma_semaphore, #tpu.memory_space<semaphore_mem>>, %arg12: memref<!tpu.dma_semaphore, #tpu.memory_space<semaphore_mem>>) attributes {dimension_semantics = [#tpu.dimension_semantics<core_parallel>, #tpu.dimension_semantics<subcore_parallel>], iteration_bounds = array<i64: 2, 16>, scalar_prefetch = 0 : i64, scratch_operands = 7 : i64, tpu.core_type = #tpu.core_type<sc_vector_subcore>, window_params = [{transform_indices = #map}, {transform_indices = #map}, {transform_indices = #map}, {transform_indices = #map1}]} {
    %mul3A = arith.constant 2 : i32
    %mul3A_0 = arith.muli %arg1, %mul3A : i32
    %add3A = arith.addi %mul3A_0, %arg0 : i32
    %mul3A_1 = arith.constant 200 : i32
    %mul3A_2 = arith.muli %add3A, %mul3A_1 : i32
    %multiple_of3A = tpu.assume_multiple %mul3A_2, 8 : i32
    %jit3A = arith.constant 32 : i32
    %div3A = arith.divsi %multiple_of3A, %jit3A : i32
    %sign3A = arith.constant 0 : i32
    %sign3A_3 = arith.cmpi sgt, %multiple_of3A, %sign3A : i32
    %sign3A_4 = arith.extui %sign3A_3 : i1 to i32
    %sign3A_5 = arith.constant 0 : i32
    %sign3A_6 = arith.cmpi slt, %multiple_of3A, %sign3A_5 : i32
    %sign3A_7 = arith.extui %sign3A_6 : i1 to i32
    %sign3A_8 = arith.subi %sign3A_4, %sign3A_7 : i32
    %sign3A_9 = arith.constant 0 : i32
    %sign3A_10 = arith.cmpi sgt, %jit3A, %sign3A_9 : i32
    %sign3A_11 = arith.extui %sign3A_10 : i1 to i32
    %sign3A_12 = arith.constant 0 : i32
    %sign3A_13 = arith.cmpi slt, %jit3A, %sign3A_12 : i32
    %sign3A_14 = arith.extui %sign3A_13 : i1 to i32
    %sign3A_15 = arith.subi %sign3A_11, %sign3A_14 : i32
    %ne3A = arith.cmpi ne, %sign3A_8, %sign3A_15 : i32
    %rem3A = arith.remsi %multiple_of3A, %jit3A : i32
    %ne3A_16 = arith.constant 0 : i32
    %ne3A_17 = arith.cmpi ne, %rem3A, %ne3A_16 : i32
    %and3A = arith.andi %ne3A, %ne3A_17 : i1
    %sub3A = arith.constant 1 : i32
    %sub3A_18 = arith.subi %div3A, %sub3A : i32
    %select_n3A = arith.select %and3A, %sub3A_18, %div3A : i32
    %jit3A_19 = arith.constant 8 : i32
    %div3A_20 = arith.divsi %select_n3A, %jit3A_19 : i32
    %sign3A_21 = arith.constant 0 : i32
    %sign3A_22 = arith.cmpi sgt, %select_n3A, %sign3A_21 : i32
    %sign3A_23 = arith.extui %sign3A_22 : i1 to i32
    %sign3A_24 = arith.constant 0 : i32
    %sign3A_25 = arith.cmpi slt, %select_n3A, %sign3A_24 : i32
    %sign3A_26 = arith.extui %sign3A_25 : i1 to i32
    %sign3A_27 = arith.subi %sign3A_23, %sign3A_26 : i32
    %sign3A_28 = arith.constant 0 : i32
    %sign3A_29 = arith.cmpi sgt, %jit3A_19, %sign3A_28 : i32
    %sign3A_30 = arith.extui %sign3A_29 : i1 to i32
    %sign3A_31 = arith.constant 0 : i32
    %sign3A_32 = arith.cmpi slt, %jit3A_19, %sign3A_31 : i32
    %sign3A_33 = arith.extui %sign3A_32 : i1 to i32
    %sign3A_34 = arith.subi %sign3A_30, %sign3A_33 : i32
    %ne3A_35 = arith.cmpi ne, %sign3A_27, %sign3A_34 : i32
    %rem3A_36 = arith.remsi %select_n3A, %jit3A_19 : i32
    %ne3A_37 = arith.constant 0 : i32
    %ne3A_38 = arith.cmpi ne, %rem3A_36, %ne3A_37 : i32
    %and3A_39 = arith.andi %ne3A_35, %ne3A_38 : i1
    %sub3A_40 = arith.constant 1 : i32
    %sub3A_41 = arith.subi %div3A_20, %sub3A_40 : i32
    %select_n3A_42 = arith.select %and3A_39, %sub3A_41, %div3A_20 : i32
    %mul3A_43 = arith.constant 8 : i32
    %mul3A_44 = arith.muli %select_n3A_42, %mul3A_43 : i32
    %min3A = arith.constant 184 : i32
    %min3A_45 = arith.minsi %mul3A_44, %min3A : i32
    %multiple_of3A_46 = tpu.assume_multiple %min3A_45, 8 : i32
    %dma_start3A = arith.constant 0 : i32
    %dma_start3A_47 = tpu.memref_slice %arg2[%multiple_of3A, %dma_start3A] : memref<6400x128xi32, #tpu.memory_space<hbm>> -> memref<200x128xi32, #tpu.memory_space<hbm>>
    %dma_start3A_48 = arith.constant 0 : i32
    %dma_start3A_49 = tpu.memref_slice %arg2[%multiple_of3A, %dma_start3A_48] : memref<6400x128xi32, #tpu.memory_space<hbm>> -> memref<200x128xi32, #tpu.memory_space<hbm>>
    tpu.enqueue_dma source(%dma_start3A_49 : memref<200x128xi32, #tpu.memory_space<hbm>>) target(%arg6 : memref<200x128xi32, #tpu.memory_space<vmem>>) target_semaphore(%arg10 : memref<!tpu.dma_semaphore, #tpu.memory_space<semaphore_mem>>)
    %dma_start3A_50 = arith.constant 0 : i32
    %dma_start3A_51 = tpu.memref_slice %arg4[%multiple_of3A_46, %dma_start3A_50] : memref<200x64xf32, #tpu.memory_space<hbm>> -> memref<16x64xf32, #tpu.memory_space<hbm>>
    %dma_start3A_52 = arith.constant 0 : i32
    %dma_start3A_53 = tpu.memref_slice %arg4[%multiple_of3A_46, %dma_start3A_52] : memref<200x64xf32, #tpu.memory_space<hbm>> -> memref<16x64xf32, #tpu.memory_space<hbm>>
    tpu.enqueue_dma source(%dma_start3A_53 : memref<16x64xf32, #tpu.memory_space<hbm>>) target(%arg7 : memref<16x64xf32, #tpu.memory_space<vmem>>) target_semaphore(%arg10 : memref<!tpu.dma_semaphore, #tpu.memory_space<semaphore_mem>>)
    %dma_wait3A = arith.constant 0 : i32
    %dma_wait3A_54 = tpu.memref_slice %arg2[%multiple_of3A, %dma_wait3A] : memref<6400x128xi32, #tpu.memory_space<hbm>> -> memref<200x128xi32, #tpu.memory_space<hbm>>
    %dma_wait3A_55 = arith.constant 0 : i32
    %dma_wait3A_56 = tpu.memref_slice %arg2[%multiple_of3A, %dma_wait3A_55] : memref<6400x128xi32, #tpu.memory_space<hbm>> -> memref<200x128xi32, #tpu.memory_space<hbm>>
    tpu.wait_dma2 semaphore(%arg10 : memref<!tpu.dma_semaphore, #tpu.memory_space<semaphore_mem>>) src(%dma_wait3A_56 : memref<200x128xi32, #tpu.memory_space<hbm>>) dst(%arg6 : memref<200x128xi32, #tpu.memory_space<vmem>>)
    %dma_wait3A_57 = arith.constant 0 : i32
    %dma_wait3A_58 = tpu.memref_slice %arg4[%multiple_of3A_46, %dma_wait3A_57] : memref<200x64xf32, #tpu.memory_space<hbm>> -> memref<16x64xf32, #tpu.memory_space<hbm>>
    %dma_wait3A_59 = arith.constant 0 : i32
    %dma_wait3A_60 = tpu.memref_slice %arg4[%multiple_of3A_46, %dma_wait3A_59] : memref<200x64xf32, #tpu.memory_space<hbm>> -> memref<16x64xf32, #tpu.memory_space<hbm>>
    tpu.wait_dma2 semaphore(%arg10 : memref<!tpu.dma_semaphore, #tpu.memory_space<semaphore_mem>>) src(%dma_wait3A_60 : memref<16x64xf32, #tpu.memory_space<hbm>>) dst(%arg7 : memref<16x64xf32, #tpu.memory_space<vmem>>)
    %dma_start3A_61 = arith.constant 0 : i32
    %dma_start3A_62 = arith.constant 0 : i32
    %dma_start3A_63 = arith.constant 0 : i32
    %dma_start3A_64 = arith.constant 0 : i32
    %dma_start3A_65 = tpu.memref_slice %arg8[%dma_start3A_62, %dma_start3A_63, %dma_start3A_64] : memref<4x128x128xf32, #tpu.memory_space<vmem>> -> memref<1x128x128xf32, #tpu.memory_space<vmem>>
    %dma_start3A_66 = tpu.memref_squeeze %dma_start3A_65 : memref<1x128x128xf32, #tpu.memory_space<vmem>> -> memref<128x128xf32, #tpu.memory_space<vmem>>
    %dma_start3A_67 = arith.constant 0 : i32
    %dma_start3A_68 = tpu.memref_slice %arg6[%dma_start3A_61, %dma_start3A_67] : memref<200x128xi32, #tpu.memory_space<vmem>> -> memref<1x128xi32, #tpu.memory_space<vmem>>
    %dma_start3A_69 = tpu.memref_squeeze %dma_start3A_68 : memref<1x128xi32, #tpu.memory_space<vmem>> -> memref<128xi32, #tpu.memory_space<vmem>>
    %dma_start3A_70 = arith.constant 0 : i32
    %dma_start3A_71 = arith.constant 0 : i32
    %dma_start3A_72 = tpu.memref_slice %arg3[%dma_start3A_70, %dma_start3A_71] : memref<1000000x128xf32, #tpu.memory_space<hbm>> -> memref<1000000x128xf32, #tpu.memory_space<hbm>>
    tpu.enqueue_indirect_dma source(%dma_start3A_72 : memref<1000000x128xf32, #tpu.memory_space<hbm>>) target(%dma_start3A_66 : memref<128x128xf32, #tpu.memory_space<vmem>>) offsets(%dma_start3A_69 : memref<128xi32, #tpu.memory_space<vmem>>) semaphore(%arg11 : memref<!tpu.dma_semaphore, #tpu.memory_space<semaphore_mem>>)
    %dma_start3A_73 = arith.constant 1 : i32
    %dma_start3A_74 = arith.constant 1 : i32
    %dma_start3A_75 = arith.constant 0 : i32
    %dma_start3A_76 = arith.constant 0 : i32
    %dma_start3A_77 = tpu.memref_slice %arg8[%dma_start3A_74, %dma_start3A_75, %dma_start3A_76] : memref<4x128x128xf32, #tpu.memory_space<vmem>> -> memref<1x128x128xf32, #tpu.memory_space<vmem>>
    %dma_start3A_78 = tpu.memref_squeeze %dma_start3A_77 : memref<1x128x128xf32, #tpu.memory_space<vmem>> -> memref<128x128xf32, #tpu.memory_space<vmem>>
    %dma_start3A_79 = arith.constant 0 : i32
    %dma_start3A_80 = tpu.memref_slice %arg6[%dma_start3A_73, %dma_start3A_79] : memref<200x128xi32, #tpu.memory_space<vmem>> -> memref<1x128xi32, #tpu.memory_space<vmem>>
    %dma_start3A_81 = tpu.memref_squeeze %dma_start3A_80 : memref<1x128xi32, #tpu.memory_space<vmem>> -> memref<128xi32, #tpu.memory_space<vmem>>
    %dma_start3A_82 = arith.constant 0 : i32
    %dma_start3A_83 = arith.constant 0 : i32
    %dma_start3A_84 = tpu.memref_slice %arg3[%dma_start3A_82, %dma_start3A_83] : memref<1000000x128xf32, #tpu.memory_space<hbm>> -> memref<1000000x128xf32, #tpu.memory_space<hbm>>
    tpu.enqueue_indirect_dma source(%dma_start3A_84 : memref<1000000x128xf32, #tpu.memory_space<hbm>>) target(%dma_start3A_78 : memref<128x128xf32, #tpu.memory_space<vmem>>) offsets(%dma_start3A_81 : memref<128xi32, #tpu.memory_space<vmem>>) semaphore(%arg11 : memref<!tpu.dma_semaphore, #tpu.memory_space<semaphore_mem>>)
    %dma_start3A_85 = arith.constant 2 : i32
    %dma_start3A_86 = arith.constant 2 : i32
    %dma_start3A_87 = arith.constant 0 : i32
    %dma_start3A_88 = arith.constant 0 : i32
    %dma_start3A_89 = tpu.memref_slice %arg8[%dma_start3A_86, %dma_start3A_87, %dma_start3A_88] : memref<4x128x128xf32, #tpu.memory_space<vmem>> -> memref<1x128x128xf32, #tpu.memory_space<vmem>>
    %dma_start3A_90 = tpu.memref_squeeze %dma_start3A_89 : memref<1x128x128xf32, #tpu.memory_space<vmem>> -> memref<128x128xf32, #tpu.memory_space<vmem>>
    %dma_start3A_91 = arith.constant 0 : i32
    %dma_start3A_92 = tpu.memref_slice %arg6[%dma_start3A_85, %dma_start3A_91] : memref<200x128xi32, #tpu.memory_space<vmem>> -> memref<1x128xi32, #tpu.memory_space<vmem>>
    %dma_start3A_93 = tpu.memref_squeeze %dma_start3A_92 : memref<1x128xi32, #tpu.memory_space<vmem>> -> memref<128xi32, #tpu.memory_space<vmem>>
    %dma_start3A_94 = arith.constant 0 : i32
    %dma_start3A_95 = arith.constant 0 : i32
    %dma_start3A_96 = tpu.memref_slice %arg3[%dma_start3A_94, %dma_start3A_95] : memref<1000000x128xf32, #tpu.memory_space<hbm>> -> memref<1000000x128xf32, #tpu.memory_space<hbm>>
    tpu.enqueue_indirect_dma source(%dma_start3A_96 : memref<1000000x128xf32, #tpu.memory_space<hbm>>) target(%dma_start3A_90 : memref<128x128xf32, #tpu.memory_space<vmem>>) offsets(%dma_start3A_93 : memref<128xi32, #tpu.memory_space<vmem>>) semaphore(%arg11 : memref<!tpu.dma_semaphore, #tpu.memory_space<semaphore_mem>>)
    %dma_start3A_97 = arith.constant 3 : i32
    %dma_start3A_98 = arith.constant 3 : i32
    %dma_start3A_99 = arith.constant 0 : i32
    %dma_start3A_100 = arith.constant 0 : i32
    %dma_start3A_101 = tpu.memref_slice %arg8[%dma_start3A_98, %dma_start3A_99, %dma_start3A_100] : memref<4x128x128xf32, #tpu.memory_space<vmem>> -> memref<1x128x128xf32, #tpu.memory_space<vmem>>
    %dma_start3A_102 = tpu.memref_squeeze %dma_start3A_101 : memref<1x128x128xf32, #tpu.memory_space<vmem>> -> memref<128x128xf32, #tpu.memory_space<vmem>>
    %dma_start3A_103 = arith.constant 0 : i32
    %dma_start3A_104 = tpu.memref_slice %arg6[%dma_start3A_97, %dma_start3A_103] : memref<200x128xi32, #tpu.memory_space<vmem>> -> memref<1x128xi32, #tpu.memory_space<vmem>>
    %dma_start3A_105 = tpu.memref_squeeze %dma_start3A_104 : memref<1x128xi32, #tpu.memory_space<vmem>> -> memref<128xi32, #tpu.memory_space<vmem>>
    %dma_start3A_106 = arith.constant 0 : i32
    %dma_start3A_107 = arith.constant 0 : i32
    %dma_start3A_108 = tpu.memref_slice %arg3[%dma_start3A_106, %dma_start3A_107] : memref<1000000x128xf32, #tpu.memory_space<hbm>> -> memref<1000000x128xf32, #tpu.memory_space<hbm>>
    tpu.enqueue_indirect_dma source(%dma_start3A_108 : memref<1000000x128xf32, #tpu.memory_space<hbm>>) target(%dma_start3A_102 : memref<128x128xf32, #tpu.memory_space<vmem>>) offsets(%dma_start3A_105 : memref<128xi32, #tpu.memory_space<vmem>>) semaphore(%arg11 : memref<!tpu.dma_semaphore, #tpu.memory_space<semaphore_mem>>)
    %scan3A = arith.constant 0 : i32
    %scan3A_109 = arith.constant 0 : i32
    %scan3A_110 = arith.constant 200 : i32
    %scan3A_111 = arith.addi %scan3A_109, %scan3A_110 : i32
    %scan3A_112 = arith.constant 1 : i32
    scf.for %scan3A_156 = %scan3A_109 to %scan3A_111 step %scan3A_112  : i32 {
      %rem3A_157 = arith.constant 4 : i32
      %rem3A_158 = arith.remsi %scan3A_156, %rem3A_157 : i32
      %rem3A_159 = arith.constant 2 : i32
      %rem3A_160 = arith.remsi %scan3A_156, %rem3A_159 : i32
      %dma_wait3A_161 = arith.constant 0 : i32
      %dma_wait3A_162 = arith.constant 0 : i32
      %dma_wait3A_163 = tpu.memref_slice %arg8[%rem3A_158, %dma_wait3A_161, %dma_wait3A_162] : memref<4x128x128xf32, #tpu.memory_space<vmem>> -> memref<1x128x128xf32, #tpu.memory_space<vmem>>
      %dma_wait3A_164 = tpu.memref_squeeze %dma_wait3A_163 : memref<1x128x128xf32, #tpu.memory_space<vmem>> -> memref<128x128xf32, #tpu.memory_space<vmem>>
      %dma_wait3A_165 = arith.constant 0 : i32
      %dma_wait3A_166 = tpu.memref_slice %arg6[%scan3A_156, %dma_wait3A_165] : memref<200x128xi32, #tpu.memory_space<vmem>> -> memref<1x128xi32, #tpu.memory_space<vmem>>
      %dma_wait3A_167 = tpu.memref_squeeze %dma_wait3A_166 : memref<1x128xi32, #tpu.memory_space<vmem>> -> memref<128xi32, #tpu.memory_space<vmem>>
      %dma_wait3A_168 = arith.constant 0 : i32
      %dma_wait3A_169 = arith.constant 0 : i32
      %dma_wait3A_170 = tpu.memref_slice %arg3[%dma_wait3A_168, %dma_wait3A_169] : memref<1000000x128xf32, #tpu.memory_space<hbm>> -> memref<1000000x128xf32, #tpu.memory_space<hbm>>
      tpu.wait_indirect_dma semaphore(%arg11 : memref<!tpu.dma_semaphore, #tpu.memory_space<semaphore_mem>>) src(%dma_wait3A_170 : memref<1000000x128xf32, #tpu.memory_space<hbm>>) dst(%dma_wait3A_164 : memref<128x128xf32, #tpu.memory_space<vmem>>)
      %ge3A = arith.constant 2 : i32
      %ge3A_171 = arith.cmpi sge, %scan3A_156, %ge3A : i32
      %convert_element_type3A = arith.extui %ge3A_171 : i1 to i32
      %cond3A = arith.constant 0 : i32
      %cond3A_172 = arith.cmpi ne, %convert_element_type3A, %cond3A : i32
      scf.if %cond3A_172 {
        %add3A_239 = arith.addi %multiple_of3A, %scan3A_156 : i32
        %dma_wait3A_240 = arith.constant 0 : i32
        %dma_wait3A_241 = arith.constant 0 : i32
        %dma_wait3A_242 = tpu.memref_slice %arg9[%rem3A_160, %dma_wait3A_240, %dma_wait3A_241] : memref<2x128x64xf32, #tpu.memory_space<vmem>> -> memref<1x128x64xf32, #tpu.memory_space<vmem>>
        %dma_wait3A_243 = tpu.memref_squeeze %dma_wait3A_242 : memref<1x128x64xf32, #tpu.memory_space<vmem>> -> memref<128x64xf32, #tpu.memory_space<vmem>>
        %dma_wait3A_244 = arith.constant 0 : i32
        %dma_wait3A_245 = arith.constant 0 : i32
        %dma_wait3A_246 = tpu.memref_slice %arg5[%add3A_239, %dma_wait3A_244, %dma_wait3A_245] : memref<6400x128x64xf32, #tpu.memory_space<hbm>> -> memref<1x128x64xf32, #tpu.memory_space<hbm>>
        %dma_wait3A_247 = tpu.memref_squeeze %dma_wait3A_246 : memref<1x128x64xf32, #tpu.memory_space<hbm>> -> memref<128x64xf32, #tpu.memory_space<hbm>>
        %dma_wait3A_248 = arith.constant 0 : i32
        %dma_wait3A_249 = arith.constant 0 : i32
        %dma_wait3A_250 = tpu.memref_slice %arg5[%add3A_239, %dma_wait3A_248, %dma_wait3A_249] : memref<6400x128x64xf32, #tpu.memory_space<hbm>> -> memref<1x128x64xf32, #tpu.memory_space<hbm>>
        %dma_wait3A_251 = tpu.memref_squeeze %dma_wait3A_250 : memref<1x128x64xf32, #tpu.memory_space<hbm>> -> memref<128x64xf32, #tpu.memory_space<hbm>>
        %dma_wait3A_252 = arith.constant 0 : i32
        %dma_wait3A_253 = arith.constant 0 : i32
        %dma_wait3A_254 = tpu.memref_slice %arg9[%rem3A_160, %dma_wait3A_252, %dma_wait3A_253] : memref<2x128x64xf32, #tpu.memory_space<vmem>> -> memref<1x128x64xf32, #tpu.memory_space<vmem>>
        %dma_wait3A_255 = tpu.memref_squeeze %dma_wait3A_254 : memref<1x128x64xf32, #tpu.memory_space<vmem>> -> memref<128x64xf32, #tpu.memory_space<vmem>>
        tpu.wait_dma2 semaphore(%arg12 : memref<!tpu.dma_semaphore, #tpu.memory_space<semaphore_mem>>) src(%dma_wait3A_255 : memref<128x64xf32, #tpu.memory_space<vmem>>) dst(%dma_wait3A_251 : memref<128x64xf32, #tpu.memory_space<hbm>>)
      } else {
      }
      %add3A_173 = arith.addi %multiple_of3A, %scan3A_156 : i32
      %jit3A_174 = arith.constant 32 : i32
      %div3A_175 = arith.divsi %add3A_173, %jit3A_174 : i32
      %sign3A_176 = arith.constant 0 : i32
      %sign3A_177 = arith.cmpi sgt, %add3A_173, %sign3A_176 : i32
      %sign3A_178 = arith.extui %sign3A_177 : i1 to i32
      %sign3A_179 = arith.constant 0 : i32
      %sign3A_180 = arith.cmpi slt, %add3A_173, %sign3A_179 : i32
      %sign3A_181 = arith.extui %sign3A_180 : i1 to i32
      %sign3A_182 = arith.subi %sign3A_178, %sign3A_181 : i32
      %sign3A_183 = arith.constant 0 : i32
      %sign3A_184 = arith.cmpi sgt, %jit3A_174, %sign3A_183 : i32
      %sign3A_185 = arith.extui %sign3A_184 : i1 to i32
      %sign3A_186 = arith.constant 0 : i32
      %sign3A_187 = arith.cmpi slt, %jit3A_174, %sign3A_186 : i32
      %sign3A_188 = arith.extui %sign3A_187 : i1 to i32
      %sign3A_189 = arith.subi %sign3A_185, %sign3A_188 : i32
      %ne3A_190 = arith.cmpi ne, %sign3A_182, %sign3A_189 : i32
      %rem3A_191 = arith.remsi %add3A_173, %jit3A_174 : i32
      %ne3A_192 = arith.constant 0 : i32
      %ne3A_193 = arith.cmpi ne, %rem3A_191, %ne3A_192 : i32
      %and3A_194 = arith.andi %ne3A_190, %ne3A_193 : i1
      %sub3A_195 = arith.constant 1 : i32
      %sub3A_196 = arith.subi %div3A_175, %sub3A_195 : i32
      %select_n3A_197 = arith.select %and3A_194, %sub3A_196, %div3A_175 : i32
      %sub3A_198 = arith.subi %select_n3A_197, %multiple_of3A_46 : i32
      %get3A = arith.index_cast %sub3A_198 : i32 to index
      %get3A_199 = arith.constant 0 : index
      %get3A_200 = tpu.vector_load %arg7[%get3A, %get3A_199] {strides = array<i32>} : memref<16x64xf32, #tpu.memory_space<vmem>>, vector<16xf32>,
      %get3A_201 = arith.index_cast %sub3A_198 : i32 to index
      %get3A_202 = arith.constant 16 : index
      %get3A_203 = tpu.vector_load %arg7[%get3A_201, %get3A_202] {strides = array<i32>} : memref<16x64xf32, #tpu.memory_space<vmem>>, vector<16xf32>,
      %get3A_204 = arith.index_cast %sub3A_198 : i32 to index
      %get3A_205 = arith.constant 32 : index
      %get3A_206 = tpu.vector_load %arg7[%get3A_204, %get3A_205] {strides = array<i32>} : memref<16x64xf32, #tpu.memory_space<vmem>>, vector<16xf32>,
      %get3A_207 = arith.index_cast %sub3A_198 : i32 to index
      %get3A_208 = arith.constant 48 : index
      %get3A_209 = tpu.vector_load %arg7[%get3A_207, %get3A_208] {strides = array<i32>} : memref<16x64xf32, #tpu.memory_space<vmem>>, vector<16xf32>,
      %scan3A_210 = arith.constant 0 : i32
      %scan3A_211 = arith.constant 0 : i32
      %scan3A_212 = arith.constant 128 : i32
      %scan3A_213 = arith.addi %scan3A_211, %scan3A_212 : i32
      %scan3A_214 = arith.constant 2 : i32
      scf.for %scan3A_239 = %scan3A_211 to %scan3A_213 step %scan3A_214  : i32 {
        %get3A_240 = arith.constant 0 : i32
        %get3A_241 = arith.constant 0 : i32
        %get3A_242 = tpu.memref_slice %arg8[%rem3A_158, %get3A_240, %get3A_241] : memref<4x128x128xf32, #tpu.memory_space<vmem>> -> memref<1x128x128xf32, #tpu.memory_space<vmem>>
        %get3A_243 = tpu.memref_squeeze %get3A_242 : memref<1x128x128xf32, #tpu.memory_space<vmem>> -> memref<128x128xf32, #tpu.memory_space<vmem>>
        %get3A_244 = arith.index_cast %scan3A_239 : i32 to index
        %get3A_245 = arith.constant 0 : index
        %get3A_246 = tpu.vector_load %get3A_243[%get3A_244, %get3A_245] {strides = array<i32>} : memref<128x128xf32, #tpu.memory_space<vmem>>, vector<16xf32>,
        %mul3A_247 = arith.constant 8.000000e+00 : f32
        %mul3A_248 = vector.broadcast %mul3A_247 : f32 to vector<16xf32>
        %mul3A_249 = arith.mulf %get3A_246, %mul3A_248 : vector<16xf32>
        %add3A_250 = arith.addf %mul3A_249, %get3A_200 : vector<16xf32>
        %swap3A = arith.constant 0 : i32
        %swap3A_251 = arith.constant 0 : i32
        %swap3A_252 = tpu.memref_slice %arg9[%rem3A_160, %swap3A, %swap3A_251] : memref<2x128x64xf32, #tpu.memory_space<vmem>> -> memref<1x128x64xf32, #tpu.memory_space<vmem>>
        %swap3A_253 = tpu.memref_squeeze %swap3A_252 : memref<1x128x64xf32, #tpu.memory_space<vmem>> -> memref<128x64xf32, #tpu.memory_space<vmem>>
        %swap3A_254 = arith.index_cast %scan3A_239 : i32 to index
        %swap3A_255 = arith.constant 0 : index
        %swap3A_256 = tpu.vector_load %swap3A_253[%swap3A_254, %swap3A_255] {strides = array<i32>} : memref<128x64xf32, #tpu.memory_space<vmem>>, vector<16xf32>,
        tpu.vector_store %swap3A_253[%swap3A_254, %swap3A_255], %add3A_250 {strides = array<i32>} : memref<128x64xf32, #tpu.memory_space<vmem>>, vector<16xf32>,
        %get3A_257 = arith.constant 0 : i32
        %get3A_258 = arith.constant 0 : i32
        %get3A_259 = tpu.memref_slice %arg8[%rem3A_158, %get3A_257, %get3A_258] : memref<4x128x128xf32, #tpu.memory_space<vmem>> -> memref<1x128x128xf32, #tpu.memory_space<vmem>>
        %get3A_260 = tpu.memref_squeeze %get3A_259 : memref<1x128x128xf32, #tpu.memory_space<vmem>> -> memref<128x128xf32, #tpu.memory_space<vmem>>
        %get3A_261 = arith.index_cast %scan3A_239 : i32 to index
        %get3A_262 = arith.constant 16 : index
        %get3A_263 = tpu.vector_load %get3A_260[%get3A_261, %get3A_262] {strides = array<i32>} : memref<128x128xf32, #tpu.memory_space<vmem>>, vector<16xf32>,
        %mul3A_264 = arith.constant 8.000000e+00 : f32
        %mul3A_265 = vector.broadcast %mul3A_264 : f32 to vector<16xf32>
        %mul3A_266 = arith.mulf %get3A_263, %mul3A_265 : vector<16xf32>
        %add3A_267 = arith.addf %mul3A_266, %get3A_203 : vector<16xf32>
        %swap3A_268 = arith.constant 0 : i32
        %swap3A_269 = arith.constant 0 : i32
        %swap3A_270 = tpu.memref_slice %arg9[%rem3A_160, %swap3A_268, %swap3A_269] : memref<2x128x64xf32, #tpu.memory_space<vmem>> -> memref<1x128x64xf32, #tpu.memory_space<vmem>>
        %swap3A_271 = tpu.memref_squeeze %swap3A_270 : memref<1x128x64xf32, #tpu.memory_space<vmem>> -> memref<128x64xf32, #tpu.memory_space<vmem>>
        %swap3A_272 = arith.index_cast %scan3A_239 : i32 to index
        %swap3A_273 = arith.constant 16 : index
        %swap3A_274 = tpu.vector_load %swap3A_271[%swap3A_272, %swap3A_273] {strides = array<i32>} : memref<128x64xf32, #tpu.memory_space<vmem>>, vector<16xf32>,
        tpu.vector_store %swap3A_271[%swap3A_272, %swap3A_273], %add3A_267 {strides = array<i32>} : memref<128x64xf32, #tpu.memory_space<vmem>>, vector<16xf32>,
        %get3A_275 = arith.constant 0 : i32
        %get3A_276 = arith.constant 0 : i32
        %get3A_277 = tpu.memref_slice %arg8[%rem3A_158, %get3A_275, %get3A_276] : memref<4x128x128xf32, #tpu.memory_space<vmem>> -> memref<1x128x128xf32, #tpu.memory_space<vmem>>
        %get3A_278 = tpu.memref_squeeze %get3A_277 : memref<1x128x128xf32, #tpu.memory_space<vmem>> -> memref<128x128xf32, #tpu.memory_space<vmem>>
        %get3A_279 = arith.index_cast %scan3A_239 : i32 to index
        %get3A_280 = arith.constant 32 : index
        %get3A_281 = tpu.vector_load %get3A_278[%get3A_279, %get3A_280] {strides = array<i32>} : memref<128x128xf32, #tpu.memory_space<vmem>>, vector<16xf32>,
        %mul3A_282 = arith.constant 8.000000e+00 : f32
        %mul3A_283 = vector.broadcast %mul3A_282 : f32 to vector<16xf32>
        %mul3A_284 = arith.mulf %get3A_281, %mul3A_283 : vector<16xf32>
        %add3A_285 = arith.addf %mul3A_284, %get3A_206 : vector<16xf32>
        %swap3A_286 = arith.constant 0 : i32
        %swap3A_287 = arith.constant 0 : i32
        %swap3A_288 = tpu.memref_slice %arg9[%rem3A_160, %swap3A_286, %swap3A_287] : memref<2x128x64xf32, #tpu.memory_space<vmem>> -> memref<1x128x64xf32, #tpu.memory_space<vmem>>
        %swap3A_289 = tpu.memref_squeeze %swap3A_288 : memref<1x128x64xf32, #tpu.memory_space<vmem>> -> memref<128x64xf32, #tpu.memory_space<vmem>>
        %swap3A_290 = arith.index_cast %scan3A_239 : i32 to index
        %swap3A_291 = arith.constant 32 : index
        %swap3A_292 = tpu.vector_load %swap3A_289[%swap3A_290, %swap3A_291] {strides = array<i32>} : memref<128x64xf32, #tpu.memory_space<vmem>>, vector<16xf32>,
        tpu.vector_store %swap3A_289[%swap3A_290, %swap3A_291], %add3A_285 {strides = array<i32>} : memref<128x64xf32, #tpu.memory_space<vmem>>, vector<16xf32>,
        %get3A_293 = arith.constant 0 : i32
        %get3A_294 = arith.constant 0 : i32
        %get3A_295 = tpu.memref_slice %arg8[%rem3A_158, %get3A_293, %get3A_294] : memref<4x128x128xf32, #tpu.memory_space<vmem>> -> memref<1x128x128xf32, #tpu.memory_space<vmem>>
        %get3A_296 = tpu.memref_squeeze %get3A_295 : memref<1x128x128xf32, #tpu.memory_space<vmem>> -> memref<128x128xf32, #tpu.memory_space<vmem>>
        %get3A_297 = arith.index_cast %scan3A_239 : i32 to index
        %get3A_298 = arith.constant 48 : index
        %get3A_299 = tpu.vector_load %get3A_296[%get3A_297, %get3A_298] {strides = array<i32>} : memref<128x128xf32, #tpu.memory_space<vmem>>, vector<16xf32>,
        %mul3A_300 = arith.constant 8.000000e+00 : f32
        %mul3A_301 = vector.broadcast %mul3A_300 : f32 to vector<16xf32>
        %mul3A_302 = arith.mulf %get3A_299, %mul3A_301 : vector<16xf32>
        %add3A_303 = arith.addf %mul3A_302, %get3A_209 : vector<16xf32>
        %swap3A_304 = arith.constant 0 : i32
        %swap3A_305 = arith.constant 0 : i32
        %swap3A_306 = tpu.memref_slice %arg9[%rem3A_160, %swap3A_304, %swap3A_305] : memref<2x128x64xf32, #tpu.memory_space<vmem>> -> memref<1x128x64xf32, #tpu.memory_space<vmem>>
        %swap3A_307 = tpu.memref_squeeze %swap3A_306 : memref<1x128x64xf32, #tpu.memory_space<vmem>> -> memref<128x64xf32, #tpu.memory_space<vmem>>
        %swap3A_308 = arith.index_cast %scan3A_239 : i32 to index
        %swap3A_309 = arith.constant 48 : index
        %swap3A_310 = tpu.vector_load %swap3A_307[%swap3A_308, %swap3A_309] {strides = array<i32>} : memref<128x64xf32, #tpu.memory_space<vmem>>, vector<16xf32>,
        tpu.vector_store %swap3A_307[%swap3A_308, %swap3A_309], %add3A_303 {strides = array<i32>} : memref<128x64xf32, #tpu.memory_space<vmem>>, vector<16xf32>,
        %scan3A_311 = arith.constant 1 : i32
        %scan3A_312 = arith.addi %scan3A_239, %scan3A_311 : i32
        %get3A_313 = arith.constant 0 : i32
        %get3A_314 = arith.constant 0 : i32
        %get3A_315 = tpu.memref_slice %arg8[%rem3A_158, %get3A_313, %get3A_314] : memref<4x128x128xf32, #tpu.memory_space<vmem>> -> memref<1x128x128xf32, #tpu.memory_space<vmem>>
        %get3A_316 = tpu.memref_squeeze %get3A_315 : memref<1x128x128xf32, #tpu.memory_space<vmem>> -> memref<128x128xf32, #tpu.memory_space<vmem>>
        %get3A_317 = arith.index_cast %scan3A_312 : i32 to index
        %get3A_318 = arith.constant 0 : index
        %get3A_319 = tpu.vector_load %get3A_316[%get3A_317, %get3A_318] {strides = array<i32>} : memref<128x128xf32, #tpu.memory_space<vmem>>, vector<16xf32>,
        %mul3A_320 = arith.constant 8.000000e+00 : f32
        %mul3A_321 = vector.broadcast %mul3A_320 : f32 to vector<16xf32>
        %mul3A_322 = arith.mulf %get3A_319, %mul3A_321 : vector<16xf32>
        %add3A_323 = arith.addf %mul3A_322, %get3A_200 : vector<16xf32>
        %swap3A_324 = arith.constant 0 : i32
        %swap3A_325 = arith.constant 0 : i32
        %swap3A_326 = tpu.memref_slice %arg9[%rem3A_160, %swap3A_324, %swap3A_325] : memref<2x128x64xf32, #tpu.memory_space<vmem>> -> memref<1x128x64xf32, #tpu.memory_space<vmem>>
        %swap3A_327 = tpu.memref_squeeze %swap3A_326 : memref<1x128x64xf32, #tpu.memory_space<vmem>> -> memref<128x64xf32, #tpu.memory_space<vmem>>
        %swap3A_328 = arith.index_cast %scan3A_312 : i32 to index
        %swap3A_329 = arith.constant 0 : index
        %swap3A_330 = tpu.vector_load %swap3A_327[%swap3A_328, %swap3A_329] {strides = array<i32>} : memref<128x64xf32, #tpu.memory_space<vmem>>, vector<16xf32>,
        tpu.vector_store %swap3A_327[%swap3A_328, %swap3A_329], %add3A_323 {strides = array<i32>} : memref<128x64xf32, #tpu.memory_space<vmem>>, vector<16xf32>,
        %get3A_331 = arith.constant 0 : i32
        %get3A_332 = arith.constant 0 : i32
        %get3A_333 = tpu.memref_slice %arg8[%rem3A_158, %get3A_331, %get3A_332] : memref<4x128x128xf32, #tpu.memory_space<vmem>> -> memref<1x128x128xf32, #tpu.memory_space<vmem>>
        %get3A_334 = tpu.memref_squeeze %get3A_333 : memref<1x128x128xf32, #tpu.memory_space<vmem>> -> memref<128x128xf32, #tpu.memory_space<vmem>>
        %get3A_335 = arith.index_cast %scan3A_312 : i32 to index
        %get3A_336 = arith.constant 16 : index
        %get3A_337 = tpu.vector_load %get3A_334[%get3A_335, %get3A_336] {strides = array<i32>} : memref<128x128xf32, #tpu.memory_space<vmem>>, vector<16xf32>,
        %mul3A_338 = arith.constant 8.000000e+00 : f32
        %mul3A_339 = vector.broadcast %mul3A_338 : f32 to vector<16xf32>
        %mul3A_340 = arith.mulf %get3A_337, %mul3A_339 : vector<16xf32>
        %add3A_341 = arith.addf %mul3A_340, %get3A_203 : vector<16xf32>
        %swap3A_342 = arith.constant 0 : i32
        %swap3A_343 = arith.constant 0 : i32
        %swap3A_344 = tpu.memref_slice %arg9[%rem3A_160, %swap3A_342, %swap3A_343] : memref<2x128x64xf32, #tpu.memory_space<vmem>> -> memref<1x128x64xf32, #tpu.memory_space<vmem>>
        %swap3A_345 = tpu.memref_squeeze %swap3A_344 : memref<1x128x64xf32, #tpu.memory_space<vmem>> -> memref<128x64xf32, #tpu.memory_space<vmem>>
        %swap3A_346 = arith.index_cast %scan3A_312 : i32 to index
        %swap3A_347 = arith.constant 16 : index
        %swap3A_348 = tpu.vector_load %swap3A_345[%swap3A_346, %swap3A_347] {strides = array<i32>} : memref<128x64xf32, #tpu.memory_space<vmem>>, vector<16xf32>,
        tpu.vector_store %swap3A_345[%swap3A_346, %swap3A_347], %add3A_341 {strides = array<i32>} : memref<128x64xf32, #tpu.memory_space<vmem>>, vector<16xf32>,
        %get3A_349 = arith.constant 0 : i32
        %get3A_350 = arith.constant 0 : i32
        %get3A_351 = tpu.memref_slice %arg8[%rem3A_158, %get3A_349, %get3A_350] : memref<4x128x128xf32, #tpu.memory_space<vmem>> -> memref<1x128x128xf32, #tpu.memory_space<vmem>>
        %get3A_352 = tpu.memref_squeeze %get3A_351 : memref<1x128x128xf32, #tpu.memory_space<vmem>> -> memref<128x128xf32, #tpu.memory_space<vmem>>
        %get3A_353 = arith.index_cast %scan3A_312 : i32 to index
        %get3A_354 = arith.constant 32 : index
        %get3A_355 = tpu.vector_load %get3A_352[%get3A_353, %get3A_354] {strides = array<i32>} : memref<128x128xf32, #tpu.memory_space<vmem>>, vector<16xf32>,
        %mul3A_356 = arith.constant 8.000000e+00 : f32
        %mul3A_357 = vector.broadcast %mul3A_356 : f32 to vector<16xf32>
        %mul3A_358 = arith.mulf %get3A_355, %mul3A_357 : vector<16xf32>
        %add3A_359 = arith.addf %mul3A_358, %get3A_206 : vector<16xf32>
        %swap3A_360 = arith.constant 0 : i32
        %swap3A_361 = arith.constant 0 : i32
        %swap3A_362 = tpu.memref_slice %arg9[%rem3A_160, %swap3A_360, %swap3A_361] : memref<2x128x64xf32, #tpu.memory_space<vmem>> -> memref<1x128x64xf32, #tpu.memory_space<vmem>>
        %swap3A_363 = tpu.memref_squeeze %swap3A_362 : memref<1x128x64xf32, #tpu.memory_space<vmem>> -> memref<128x64xf32, #tpu.memory_space<vmem>>
        %swap3A_364 = arith.index_cast %scan3A_312 : i32 to index
        %swap3A_365 = arith.constant 32 : index
        %swap3A_366 = tpu.vector_load %swap3A_363[%swap3A_364, %swap3A_365] {strides = array<i32>} : memref<128x64xf32, #tpu.memory_space<vmem>>, vector<16xf32>,
        tpu.vector_store %swap3A_363[%swap3A_364, %swap3A_365], %add3A_359 {strides = array<i32>} : memref<128x64xf32, #tpu.memory_space<vmem>>, vector<16xf32>,
        %get3A_367 = arith.constant 0 : i32
        %get3A_368 = arith.constant 0 : i32
        %get3A_369 = tpu.memref_slice %arg8[%rem3A_158, %get3A_367, %get3A_368] : memref<4x128x128xf32, #tpu.memory_space<vmem>> -> memref<1x128x128xf32, #tpu.memory_space<vmem>>
        %get3A_370 = tpu.memref_squeeze %get3A_369 : memref<1x128x128xf32, #tpu.memory_space<vmem>> -> memref<128x128xf32, #tpu.memory_space<vmem>>
        %get3A_371 = arith.index_cast %scan3A_312 : i32 to index
        %get3A_372 = arith.constant 48 : index
        %get3A_373 = tpu.vector_load %get3A_370[%get3A_371, %get3A_372] {strides = array<i32>} : memref<128x128xf32, #tpu.memory_space<vmem>>, vector<16xf32>,
        %mul3A_374 = arith.constant 8.000000e+00 : f32
        %mul3A_375 = vector.broadcast %mul3A_374 : f32 to vector<16xf32>
        %mul3A_376 = arith.mulf %get3A_373, %mul3A_375 : vector<16xf32>
        %add3A_377 = arith.addf %mul3A_376, %get3A_209 : vector<16xf32>
        %swap3A_378 = arith.constant 0 : i32
        %swap3A_379 = arith.constant 0 : i32
        %swap3A_380 = tpu.memref_slice %arg9[%rem3A_160, %swap3A_378, %swap3A_379] : memref<2x128x64xf32, #tpu.memory_space<vmem>> -> memref<1x128x64xf32, #tpu.memory_space<vmem>>
        %swap3A_381 = tpu.memref_squeeze %swap3A_380 : memref<1x128x64xf32, #tpu.memory_space<vmem>> -> memref<128x64xf32, #tpu.memory_space<vmem>>
        %swap3A_382 = arith.index_cast %scan3A_312 : i32 to index
        %swap3A_383 = arith.constant 48 : index
        %swap3A_384 = tpu.vector_load %swap3A_381[%swap3A_382, %swap3A_383] {strides = array<i32>} : memref<128x64xf32, #tpu.memory_space<vmem>>, vector<16xf32>,
        tpu.vector_store %swap3A_381[%swap3A_382, %swap3A_383], %add3A_377 {strides = array<i32>} : memref<128x64xf32, #tpu.memory_space<vmem>>, vector<16xf32>,
      }
      %scan3A_215 = arith.constant 128 : i32
      %add3A_216 = arith.addi %multiple_of3A, %scan3A_156 : i32
      %dma_start3A_217 = arith.constant 0 : i32
      %dma_start3A_218 = arith.constant 0 : i32
      %dma_start3A_219 = tpu.memref_slice %arg9[%rem3A_160, %dma_start3A_217, %dma_start3A_218] : memref<2x128x64xf32, #tpu.memory_space<vmem>> -> memref<1x128x64xf32, #tpu.memory_space<vmem>>
      %dma_start3A_220 = tpu.memref_squeeze %dma_start3A_219 : memref<1x128x64xf32, #tpu.memory_space<vmem>> -> memref<128x64xf32, #tpu.memory_space<vmem>>
      %dma_start3A_221 = arith.constant 0 : i32
      %dma_start3A_222 = arith.constant 0 : i32
      %dma_start3A_223 = tpu.memref_slice %arg5[%add3A_216, %dma_start3A_221, %dma_start3A_222] : memref<6400x128x64xf32, #tpu.memory_space<hbm>> -> memref<1x128x64xf32, #tpu.memory_space<hbm>>
      %dma_start3A_224 = tpu.memref_squeeze %dma_start3A_223 : memref<1x128x64xf32, #tpu.memory_space<hbm>> -> memref<128x64xf32, #tpu.memory_space<hbm>>
      %dma_start3A_225 = arith.constant 0 : i32
      %dma_start3A_226 = arith.constant 0 : i32
      %dma_start3A_227 = tpu.memref_slice %arg5[%add3A_216, %dma_start3A_225, %dma_start3A_226] : memref<6400x128x64xf32, #tpu.memory_space<hbm>> -> memref<1x128x64xf32, #tpu.memory_space<hbm>>
      %dma_start3A_228 = tpu.memref_squeeze %dma_start3A_227 : memref<1x128x64xf32, #tpu.memory_space<hbm>> -> memref<128x64xf32, #tpu.memory_space<hbm>>
      %dma_start3A_229 = arith.constant 0 : i32
      %dma_start3A_230 = arith.constant 0 : i32
      %dma_start3A_231 = tpu.memref_slice %arg9[%rem3A_160, %dma_start3A_229, %dma_start3A_230] : memref<2x128x64xf32, #tpu.memory_space<vmem>> -> memref<1x128x64xf32, #tpu.memory_space<vmem>>
      %dma_start3A_232 = tpu.memref_squeeze %dma_start3A_231 : memref<1x128x64xf32, #tpu.memory_space<vmem>> -> memref<128x64xf32, #tpu.memory_space<vmem>>
      tpu.enqueue_dma source(%dma_start3A_232 : memref<128x64xf32, #tpu.memory_space<vmem>>) target(%dma_start3A_228 : memref<128x64xf32, #tpu.memory_space<hbm>>) target_semaphore(%arg12 : memref<!tpu.dma_semaphore, #tpu.memory_space<semaphore_mem>>)
      %add3A_233 = arith.constant 4 : i32
      %add3A_234 = arith.addi %scan3A_156, %add3A_233 : i32
      %lt3A = arith.constant 200 : i32
      %lt3A_235 = arith.cmpi slt, %add3A_234, %lt3A : i32
      %convert_element_type3A_236 = arith.extui %lt3A_235 : i1 to i32
      %cond3A_237 = arith.constant 0 : i32
      %cond3A_238 = arith.cmpi ne, %convert_element_type3A_236, %cond3A_237 : i32
      scf.if %cond3A_238 {
        %add3A_239 = arith.constant 4 : i32
        %add3A_240 = arith.addi %scan3A_156, %add3A_239 : i32
        %dma_start3A_241 = arith.constant 0 : i32
        %dma_start3A_242 = arith.constant 0 : i32
        %dma_start3A_243 = tpu.memref_slice %arg8[%rem3A_158, %dma_start3A_241, %dma_start3A_242] : memref<4x128x128xf32, #tpu.memory_space<vmem>> -> memref<1x128x128xf32, #tpu.memory_space<vmem>>
        %dma_start3A_244 = tpu.memref_squeeze %dma_start3A_243 : memref<1x128x128xf32, #tpu.memory_space<vmem>> -> memref<128x128xf32, #tpu.memory_space<vmem>>
        %dma_start3A_245 = arith.constant 0 : i32
        %dma_start3A_246 = tpu.memref_slice %arg6[%add3A_240, %dma_start3A_245] : memref<200x128xi32, #tpu.memory_space<vmem>> -> memref<1x128xi32, #tpu.memory_space<vmem>>
        %dma_start3A_247 = tpu.memref_squeeze %dma_start3A_246 : memref<1x128xi32, #tpu.memory_space<vmem>> -> memref<128xi32, #tpu.memory_space<vmem>>
        %dma_start3A_248 = arith.constant 0 : i32
        %dma_start3A_249 = arith.constant 0 : i32
        %dma_start3A_250 = tpu.memref_slice %arg3[%dma_start3A_248, %dma_start3A_249] : memref<1000000x128xf32, #tpu.memory_space<hbm>> -> memref<1000000x128xf32, #tpu.memory_space<hbm>>
        tpu.enqueue_indirect_dma source(%dma_start3A_250 : memref<1000000x128xf32, #tpu.memory_space<hbm>>) target(%dma_start3A_244 : memref<128x128xf32, #tpu.memory_space<vmem>>) offsets(%dma_start3A_247 : memref<128xi32, #tpu.memory_space<vmem>>) semaphore(%arg11 : memref<!tpu.dma_semaphore, #tpu.memory_space<semaphore_mem>>)
      } else {
      }
    }
    %scan3A_113 = arith.constant 200 : i32
    %rem3A_114 = arith.constant 198 : i32
    %rem3A_115 = arith.constant 2 : i32
    %rem3A_116 = arith.remsi %rem3A_114, %rem3A_115 : i32
    %add3A_117 = arith.constant 198 : i32
    %add3A_118 = arith.addi %multiple_of3A, %add3A_117 : i32
    %dma_wait3A_119 = arith.constant 0 : i32
    %dma_wait3A_120 = arith.constant 0 : i32
    %dma_wait3A_121 = tpu.memref_slice %arg9[%rem3A_116, %dma_wait3A_119, %dma_wait3A_120] : memref<2x128x64xf32, #tpu.memory_space<vmem>> -> memref<1x128x64xf32, #tpu.memory_space<vmem>>
    %dma_wait3A_122 = tpu.memref_squeeze %dma_wait3A_121 : memref<1x128x64xf32, #tpu.memory_space<vmem>> -> memref<128x64xf32, #tpu.memory_space<vmem>>
    %dma_wait3A_123 = arith.constant 0 : i32
    %dma_wait3A_124 = arith.constant 0 : i32
    %dma_wait3A_125 = tpu.memref_slice %arg5[%add3A_118, %dma_wait3A_123, %dma_wait3A_124] : memref<6400x128x64xf32, #tpu.memory_space<hbm>> -> memref<1x128x64xf32, #tpu.memory_space<hbm>>
    %dma_wait3A_126 = tpu.memref_squeeze %dma_wait3A_125 : memref<1x128x64xf32, #tpu.memory_space<hbm>> -> memref<128x64xf32, #tpu.memory_space<hbm>>
    %dma_wait3A_127 = arith.constant 0 : i32
    %dma_wait3A_128 = arith.constant 0 : i32
    %dma_wait3A_129 = tpu.memref_slice %arg5[%add3A_118, %dma_wait3A_127, %dma_wait3A_128] : memref<6400x128x64xf32, #tpu.memory_space<hbm>> -> memref<1x128x64xf32, #tpu.memory_space<hbm>>
    %dma_wait3A_130 = tpu.memref_squeeze %dma_wait3A_129 : memref<1x128x64xf32, #tpu.memory_space<hbm>> -> memref<128x64xf32, #tpu.memory_space<hbm>>
    %dma_wait3A_131 = arith.constant 0 : i32
    %dma_wait3A_132 = arith.constant 0 : i32
    %dma_wait3A_133 = tpu.memref_slice %arg9[%rem3A_116, %dma_wait3A_131, %dma_wait3A_132] : memref<2x128x64xf32, #tpu.memory_space<vmem>> -> memref<1x128x64xf32, #tpu.memory_space<vmem>>
    %dma_wait3A_134 = tpu.memref_squeeze %dma_wait3A_133 : memref<1x128x64xf32, #tpu.memory_space<vmem>> -> memref<128x64xf32, #tpu.memory_space<vmem>>
    tpu.wait_dma2 semaphore(%arg12 : memref<!tpu.dma_semaphore, #tpu.memory_space<semaphore_mem>>) src(%dma_wait3A_134 : memref<128x64xf32, #tpu.memory_space<vmem>>) dst(%dma_wait3A_130 : memref<128x64xf32, #tpu.memory_space<hbm>>)
    %rem3A_135 = arith.constant 199 : i32
    %rem3A_136 = arith.constant 2 : i32
    %rem3A_137 = arith.remsi %rem3A_135, %rem3A_136 : i32
    %add3A_138 = arith.constant 199 : i32
    %add3A_139 = arith.addi %multiple_of3A, %add3A_138 : i32
    %dma_wait3A_140 = arith.constant 0 : i32
    %dma_wait3A_141 = arith.constant 0 : i32
    %dma_wait3A_142 = tpu.memref_slice %arg9[%rem3A_137, %dma_wait3A_140, %dma_wait3A_141] : memref<2x128x64xf32, #tpu.memory_space<vmem>> -> memref<1x128x64xf32, #tpu.memory_space<vmem>>
    %dma_wait3A_143 = tpu.memref_squeeze %dma_wait3A_142 : memref<1x128x64xf32, #tpu.memory_space<vmem>> -> memref<128x64xf32, #tpu.memory_space<vmem>>
    %dma_wait3A_144 = arith.constant 0 : i32
    %dma_wait3A_145 = arith.constant 0 : i32
    %dma_wait3A_146 = tpu.memref_slice %arg5[%add3A_139, %dma_wait3A_144, %dma_wait3A_145] : memref<6400x128x64xf32, #tpu.memory_space<hbm>> -> memref<1x128x64xf32, #tpu.memory_space<hbm>>
    %dma_wait3A_147 = tpu.memref_squeeze %dma_wait3A_146 : memref<1x128x64xf32, #tpu.memory_space<hbm>> -> memref<128x64xf32, #tpu.memory_space<hbm>>
    %dma_wait3A_148 = arith.constant 0 : i32
    %dma_wait3A_149 = arith.constant 0 : i32
    %dma_wait3A_150 = tpu.memref_slice %arg5[%add3A_139, %dma_wait3A_148, %dma_wait3A_149] : memref<6400x128x64xf32, #tpu.memory_space<hbm>> -> memref<1x128x64xf32, #tpu.memory_space<hbm>>
    %dma_wait3A_151 = tpu.memref_squeeze %dma_wait3A_150 : memref<1x128x64xf32, #tpu.memory_space<hbm>> -> memref<128x64xf32, #tpu.memory_space<hbm>>
    %dma_wait3A_152 = arith.constant 0 : i32
    %dma_wait3A_153 = arith.constant 0 : i32
    %dma_wait3A_154 = tpu.memref_slice %arg9[%rem3A_137, %dma_wait3A_152, %dma_wait3A_153] : memref<2x128x64xf32, #tpu.memory_space<vmem>> -> memref<1x128x64xf32, #tpu.memory_space<vmem>>
    %dma_wait3A_155 = tpu.memref_squeeze %dma_wait3A_154 : memref<1x128x64xf32, #tpu.memory_space<vmem>> -> memref<128x64xf32, #tpu.memory_space<vmem>>
    tpu.wait_dma2 semaphore(%arg12 : memref<!tpu.dma_semaphore, #tpu.memory_space<semaphore_mem>>) src(%dma_wait3A_155 : memref<128x64xf32, #tpu.memory_space<vmem>>) dst(%dma_wait3A_151 : memref<128x64xf32, #tpu.memory_space<hbm>>)
    return
  }
}

</mosaic_0001>

<sc_bundles>
// kernel: kernel.3.cloned.1.call-start
scs
__scs_entry_jumppad:
0x0: {  	(pc) =	sbr.rel $0x88, $3  }
0x1: {  	(tag) =	ssettag $0x0;
	lr =	simm.s32 $0x1  }
0x2: {  	[smem:$0x3F9D] =	sst lr;
	_ =	strace $0xD0000000  }
0x3: {  	_ = 	snop  }
0x4: {  	_ = 	snop  }
0x5: {  	_ = 	snop  }
0x6: {  	_ = 	snop  }
0x7: {  	_ = 	snop  }
__scs_overlays_trampoline_lowered:
0x8: {  	[smem:$0x3FAC] =	sst s0  }
0x9: {  	[smem:$0x3FAD] =	sst s1  }
0xa: {  	[smem:$0x3FAE] =	sst s2  }
0xb: {  	[smem:$0x3FAF] =	sst s3  }
0xc: {  	[smem:$0x3FB0] =	sst s4  }
0xd: {  	[smem:$0x3FB1] =	sst s5  }
0xe: {  	[smem:$0x3FB2] =	sst s6  }
0xf: {  	[smem:$0x3FB3] =	sst s7  }
0x10: {  	[smem:$0x3FB4] =	sst s8  }
0x11: {  	[smem:$0x3FB5] =	sst s9;
	s0 =	simm.s32 @!p0 $0x0  }
0x12: {  	s1 =	sld [smem:$0x3F9B];
	s0 =	simm.s32 @p0 $0x1  }
0x13: {  	[smem:$0x3FB6] =	sst s0;
	s0 =	simm.s32 @!p1 $0x0  }
0x14: {  	s2 =	sld [smem:$0x3F9A];
	s0 =	simm.s32 @p1 $0x1  }
0x15: {  	[smem:$0x3FB7] =	sst s0;
	s0 =	simm.s32 @!p2 $0x0  }
0x16: {  	s3 =	sld [smem:$0x3FDB];
	s0 =	simm.s32 @p2 $0x1  }
0x17: {  	s4 =	simm.s32 $0x1BF5;
	[smem:$0x3FB9] =	sst s0  }
0x18: {  	s0 =	sld [smem:$0x3F9C];
	_ =	swait.ge [sflag:s4], $0x0  }
0x19: {  	s7 =	sld [smem:$0x3F9D]  }
0x1a: {  	s8 =	sadd.s32 $0xFFFFE003, lr  }
0x1b: {  	s9 =	sadd.s32 $0xFFFFFEF7, lr;
	s5 =	simm.s32 $0xFFFFFFFF;
	p2 =	slt.u32 s8, $0xFFFFF086  }
0x1c: {  	p1 =	slt.u32 s9, $0xF7A;
	s5 =	simm.s32 @!p2 $0x0  }
0x1d: {  	s5 =	simm.s32 @p1 $0x1;
	p0 =	seq.s32 s7, s2  }
0x1e: {  	s7 =	smul.u32 @!p0 $0xF7A, s2;
	p2 =	seq.s32 @!p0 s5, $0x0  }
0x1f: {  	s9 =	smul.u32 $0xF7A, s1;
	s8 =	simm.s32 @!p0 $0x1BF5;
	p2 =	por !p2, p0  }
0x20: {  	[sflag:s8] =	ssyncset.s32 @!p0 $0xFFFFF086;
	s6 =	sadd.s32 @!p0 s3, s7;
	s7 =	simm.s32 @!p0 $0x108  }
0x21: {  	s3 =	sadd.s32 s3, s9;
	s6 =	sadd.s32 @!p0 $0x88, s6;
	s7 =	simm.s32 @p2 $0x1082  }
0x22: {  	[simem:s7], [sflag:s8] =	dma.local @!p0 [hbm:s6], $0xF7A  }
0x23: {  	s9 =	sor.u32 $0xD0000000, s2;
	s6 =	simm.s32 $0x108;
	_ =	swait.ge @!p0 [sflag:s8], $0x0  }
0x24: {  	s3 =	sadd.s32 $0x88, s3;
	s6 =	simm.s32 @!p1 $0x1082;
	[sflag:s4] =	ssyncset.s32 $0xFFFFF086  }
0x25: {  	[simem:s6], [sflag:s4] =	dma.local [hbm:s3], $0xF7A  }
0x26: {  	[smem:$0x3F9D] =	sst s1;
	(tag) =	ssettag s2;
	_ =	strace s9  }
0x27: {  	s1 =	sld [smem:$0x3FAD]  }
0x28: {  	s2 =	sld [smem:$0x3FAE]  }
0x29: {  	s4 =	sld [smem:$0x3FB0]  }
0x2a: {  	p0 =	seq.s32 s5, $0x0;
	s5 =	sld [smem:$0x3FB1]  }
0x2b: {  	s6 =	sld [smem:$0x3FB2]  }
0x2c: {  	s7 =	sld [smem:$0x3FB3]  }
0x2d: {  	s3 =	simm.s32 $0x108;
	s8 =	sld [smem:$0x3FB4]  }
0x2e: {  	s3 =	simm.s32 @!p0 $0x1082;
	s9 =	sld [smem:$0x3FB5]  }
0x2f: {  	lr =	sadd.s32 s0, s3;
	s0 =	sld [smem:$0x3FAC]  }
0x30: {  	s3 =	sld [smem:$0x3FAF]  }
0x31: {  	[smem:$0x3FB8] =	sst s10  }
0x32: {  	s10 =	sld [smem:$0x3FB6];
	_ =	sdelay $0x3  }
0x33: {  	p0 =	seq.s32 s10, $0x1;
	s10 =	sld [smem:$0x3FB8];
	_ =	sdelay $0x3  }
0x34: {  	[smem:$0x3FB8] =	sst s10  }
0x35: {  	s10 =	sld [smem:$0x3FB7];
	_ =	sdelay $0x3  }
0x36: {  	p1 =	seq.s32 s10, $0x1;
	s10 =	sld [smem:$0x3FB8];
	_ =	sdelay $0x3  }
0x37: {  	[smem:$0x3FB8] =	sst s10  }
0x38: {  	s10 =	sld [smem:$0x3FB9]  }
0x39: {  	_ = 	snop;
	(pc) =	sbr.ind lr, $3  }
0x3a: {  	_ = 	snop  }
0x3b: {  	_ = 	snop  }
0x3c: {  	p2 =	seq.s32 s10, $0x1;
	s10 =	sld [smem:$0x3FB8]  }
0x3d: {  	_ =	shalt  }
0x3e: {  	_ =	shalt  }
0x3f: {  	_ =	shalt  }
0x40: {  	_ =	shalt  }
0x41: {  	_ =	shalt  }
0x42: {  	_ =	shalt  }
0x43: {  	_ =	shalt  }
0x44: {  	_ =	shalt  }
0x45: {  	_ =	shalt  }
0x46: {  	_ =	shalt  }
0x47: {  	_ =	shalt  }
0x48: {  	_ =	shalt  }
0x49: {  	_ =	shalt  }
0x4a: {  	_ =	shalt  }
0x4b: {  	_ =	shalt  }
0x4c: {  	_ =	shalt  }
0x4d: {  	_ =	shalt  }
0x4e: {  	_ =	shalt  }
0x4f: {  	_ =	shalt  }
0x50: {  	_ =	shalt  }
0x51: {  	_ =	shalt  }
0x52: {  	_ =	shalt  }
0x53: {  	_ =	shalt  }
0x54: {  	_ =	shalt  }
0x55: {  	_ =	shalt  }
0x56: {  	_ =	shalt  }
0x57: {  	_ =	shalt  }
0x58: {  	_ =	shalt  }
0x59: {  	_ =	shalt  }
0x5a: {  	_ =	shalt  }
0x5b: {  	_ =	shalt  }
0x5c: {  	_ =	shalt  }
0x5d: {  	_ =	shalt  }
0x5e: {  	_ =	shalt  }
0x5f: {  	_ =	shalt  }
0x60: {  	_ =	shalt  }
0x61: {  	_ =	shalt  }
0x62: {  	_ =	shalt  }
0x63: {  	_ =	shalt  }
0x64: {  	_ =	shalt  }
0x65: {  	_ =	shalt  }
0x66: {  	_ =	shalt  }
0x67: {  	_ =	shalt  }
0x68: {  	_ =	shalt  }
0x69: {  	_ =	shalt  }
0x6a: {  	_ =	shalt  }
0x6b: {  	_ =	shalt  }
0x6c: {  	_ =	shalt  }
0x6d: {  	_ =	shalt  }
0x6e: {  	_ =	shalt  }
0x6f: {  	_ =	shalt  }
0x70: {  	_ =	shalt  }
0x71: {  	_ =	shalt  }
0x72: {  	_ =	shalt  }
0x73: {  	_ =	shalt  }
0x74: {  	_ =	shalt  }
0x75: {  	_ =	shalt  }
0x76: {  	_ =	shalt  }
0x77: {  	_ =	shalt  }
0x78: {  	_ =	shalt  }
0x79: {  	_ =	shalt  }
0x7a: {  	_ =	shalt  }
0x7b: {  	_ =	shalt  }
0x7c: {  	_ =	shalt  }
0x7d: {  	_ =	shalt  }
0x7e: {  	_ =	shalt  }
0x7f: {  	_ =	shalt  }
0x80: {  	_ =	shalt  }
0x81: {  	_ =	shalt  }
0x82: {  	_ =	shalt  }
0x83: {  	_ =	shalt  }
0x84: {  	_ =	shalt  }
0x85: {  	_ =	shalt  }
0x86: {  	_ =	shalt  }
0x87: {  	_ =	shalt  }
.Lfunc_end0:
.L_simem_size_0:
called_computation.2_lowered:
.L_overlay_start_0:
0x88: {  	s2 =	sld [smem:$0x3FD9]  }
0x89: {  	s3 =	sld [smem:$0x3FFE];
	_ =	sdelay $0x1  }
0x8a: {  	s1 =	srdreg.scid  }
0x8b: {  	s0 =	sand.u32 $0x1, s1  }
0x8c: {  	s17 =	sshll.u32 s0, $0xA;
	s2 =	sadd.s32 s3, s2  }
0x8d: {  	s2 =	sadd.s32 s2, s17  }
0x8e: {  	[smem:$0x3FC4] =	sst s2  }
0x8f: {  	_ = 	snop  }
0x90: {  	s2 =	sld [smem:$0x3FD0];
	(tm) =	ssettm $0x1  }
0x91: {  	s18 =	sld [smem:$0x3FFB];
	_ =	sdelay $0x3  }
0x92: {  	_ =	strace s18  }
0x93: {  	s3 =	sld [smem:$0x3FFC];
	_ =	sdelay $0x3  }
0x94: {  	_ =	strace s3  }
0x95: {  	s3 =	sld [smem:$0x3FFD];
	_ =	sdelay $0x3  }
0x96: {  	_ =	strace s3  }
0x97: {  	_ =	strace $0x8FFFFFFF  }
0x98: {  	s19 =	sld [smem:$0x3FDB];
	_ =	sdelay $0x1  }
0x99: {  	s4 =	simm.s32 $_scs_section_size  }
0x9a: {  	s5 =	simm.s32 $_size__tile_overlayer_lowered;
	s6 =	simm.s32 $_tile_overlayer_lowered  }
0x9b: {  	s22 =	simm.s32 $0x1BFF;
	s21 =	sshll.u32 s6, $0x1;
	s3 =	sadd.s32 s4, s19  }
0x9c: {  	s7 =	simm.s32 $0x0;
	s20 =	sshll.u32 s5, $0x1;
	s5 =	sadd.s32 s21, s3  }
0x9d: {  	[timem:s7], [sflag:s22] =	dma.local [hbm:s5], s20  }
0x9e: {  	_ =	swait.ge [sflag:s22], s20  }
0x9f: {  	s4 =	ssub.s32 $0x0, s20;
	[sflag:s22] =	ssyncset.done $0x0  }
0xa0: {  	[sflag:s22] =	ssyncadd.s32 s4;
	_ =	sdelay $0x1  }
0xa1: {  	s23 =	simm.s32 $0x1B8B  }
0xa2: {  	_ =	swait.ge [sflag:s23], $0x1  }
0xa3: {  	[sflag:s23] =	ssyncset.done $0x0  }
0xa4: {  	s25 =	simm.s32 $0x1B8E;
	s24 =	sld [smem:$0x3FFE];
	[sflag:s23] =	ssyncadd.s32 $0xFFFFFFFF  }
0xa5: {  	s26 =	simm.s32 $execute0_lowered;
	[smem:$0x3FD2] =	sst s25  }
0xa6: {  	s5 =	sshll.u32 s26, $0x1;
	_ =	strace $0x80000049;
	[dreg:$0x1] =	wrdreg $0xFFFFFFFF  }
0xa7: {  	s28 =	simm.s32 $_size_execute0_lowered;
	s3 =	sadd.s32 s3, s5;
	[dreg:$0x0] =	wrdreg $0x0  }
0xa8: {  	s5 =	sshll.u32 s28, $0x1;
	[dreg:$0x2] =	wrdreg s3  }
0xa9: {  	[dreg:$0x3] =	wrdreg s5  }
0xaa: {  	[dreg:$0x4] =	wrdreg $0xC0  }
0xab: {  	_ =	task [dreg:s7], $0x5FFFF  }
0xac: {  	[dreg:$0x1] =	wrdreg $0xFFFFFFFF  }
0xad: {  	[dreg:$0x0] =	wrdreg $0x60  }
0xae: {  	[dreg:$0x2] =	wrdreg s2  }
0xaf: {  	[dreg:$0x3] =	wrdreg s24  }
0xb0: {  	[dreg:$0x4] =	wrdreg $0x9  }
0xb1: {  	_ =	task.clear_ibuf [dreg:s7], $0x5FFFF;
	_ =	strace $0x90000049  }
0xb2: {  	s29 =	simm.s32 $0x9;
	_ =	strace $0x8000004B  }
0xb3: {  	_ =	swait.ge [sflag:s29], $0x1  }
0xb4: {  	[sflag:s29] =	ssyncadd.s32 $0xFFFFFFFF  }
0xb5: {  	_ =	strace $0x9000004B  }
0xb6: {  	_ =	sfence  }
0xb7: {  	s30 =	sld [smem:$0x0];
	_ =	sdelay $0x2  }
0xb8: {  	s31 =	sshll.u32 s1, $0xD;
	s1 =	sshrl.u32 s1, $0x2  }
0xb9: {  	s3 =	sand.u32 $0x4000, s31;
	s1 =	sadd.s32 s1, s30  }
0xba: {  	s0 =	sor.u32 s3, s0;
	s1 =	sshll.u32 s1, $0x11  }
0xbb: {  	s0 =	sor.u32 s1, s0  }
0xbc: {  	s0 =	sadd.s32 $0x8F2B, s0  }
0xbd: {  	[sflag:s0] =	ssyncadd.remote.s32 $0x1  }
0xbe: {  	_ =	sfence.sel $0xFFFF  }
0xbf: {  	[dreg:$0x0] =	wrdreg $0xFFFFFFFF;
	(pc) =	sbr.abs _section_cstart, $3  }
0xc0: {  	[dreg:$0x1] =	wrdreg $0xFFFFFFFF  }
0xc1: {  	_ =	task.clear_ibuf [dreg:s7], $0x2FFFF;
	_ =	strace $0x9FFFFFFF  }
0xc2: {  	(tm) =	ssettm $0x7FFFFFFF  }
0xc3: {  	_ =	shalt  }
tec
execute0_lowered:
.L_overlay_start_1:
0x0: {  	(tag) =	ssettag $0x1  }
0x1: {  	s1 =	srdreg.scid;
	s7 =	rddreg [dreg:$0x0]  }
0x2: {  	s0 =	stileid.u32;
	s9 =	rddreg [dreg:$0x1];
	s3 =	simm.s32 $0x0  }
0x3: {  	s13 =	simm.s32 $0x6C00;
	s14 =	simm.s32 $0xAC00;
	s15 =	simm.s32 $0x100  }
0x4: {  	s16 =	simm.s32 $0xEC00;
	s6 =	sand.u32 $0x1, s1;
	s29 =	sshll.u32 s0, $0x1  }
0x5: {  	s17 =	simm.s32 $0x180;
	s18 =	simm.s32 $0x12C00;
	s8 =	sor.u32 s6, s29  }
0x6: {  	s19 =	simm.s32 $0x2;
	s1 =	rddreg [dreg:$0x2];
	s2 =	smul.u32 $0xC8, s8  }
0x7: {  	s20 =	simm.s32 $0x3;
	s21 =	simm.s32 $0x0;
	[smem:$0x7FF] =	sst s3  }
0x8: {  	_ =	strace $0x8000004A;
	s10 =	ssub.s32 $0x2, s6;
	s4 =	sshrl.u32 s2, $0x5  }
0x9: {  	s6 =	sadd.s32 $0x1000, s9;
	s11 =	sshrl.u32 s10, $0x1;
	s5 =	sand.u32 $0xF8, s4  }
0xa: {  	s8 =	smul.u32 $0xC80, s8;
	s31 =	ssub.s32 s10, s11;
	s5 =	smin.u32 s5, $0xB8  }
0xb: {  	s10 =	simm.s32 $0x6400;
	s11 =	simm.s32 $0x1;
	s30 =	sshll.u32 s5, $0x4  }
0xc: {  	s7 =	sadd.s32 s7, s8;
	s4 =	sadd.s32 $0xF44200, s9;
	s12 =	sadd.s32 s30, s9  }
0xd: {  	s9 =	smax.u32 s31, $0x1;
	s8 =	sadd.s32 $0xF43400, s12;
	s12 =	simm.s32 $0x80  }
.LBB2_1:
0xe: {  	[tilespmem:s3], [sflag:$0x1] =	stream.linear.gather [hbm4b:s7+s3], $0x6400, $0x38;
	[tilespmem:$0x1EC00] =	vst v63  }
0xf: {  	_ = 	snop  }
0x10: {  	[tilespmem:s10], [sflag:$0x1] =	stream.linear.gather [hbm4b:s8+s3], $0x800, $0x38;
	[tilespmem:$0x1EC00] =	vst v63  }
0x11: {  	_ =	swait.ge [sflag:s11], $0x6400  }
0x12: {  	[sflag:s11] =	ssyncset.done $0x0  }
0x13: {  	[sflag:s11] =	ssyncadd.s32 $0xFFFF9C00  }
0x14: {  	_ =	swait.ge [sflag:s11], $0x800  }
0x15: {  	[sflag:s11] =	ssyncset.done $0x0  }
0x16: {  	[sflag:s11] =	ssyncadd.s32 $0xFFFFF800  }
0x17: {  	[tilespmem:s13], [sflag:$0x2] =	stream.indirect.gather [hbm4b:s4+s12], $0x80, s3, s12, $0xb8;
	[tilespmem:$0x1EC00] =	vst v63  }
0x18: {  	_ = 	snop  }
0x19: {  	[tilespmem:s14], [sflag:$0x2] =	stream.indirect.gather [hbm4b:s4+s12], $0x80, s12, s12, $0xb8;
	[tilespmem:$0x1EC00] =	vst v63  }
0x1a: {  	_ = 	snop  }
0x1b: {  	[tilespmem:s16], [sflag:$0x2] =	stream.indirect.gather [hbm4b:s4+s12], $0x80, s15, s12, $0xb8;
	[tilespmem:$0x1EC00] =	vst v63  }
0x1c: {  	p0 =	por $0x0, $0x0;
	s22 =	simm.s32 $0x0;
	s23 =	simm.s32 $0x0  }
0x1d: {  	[tilespmem:s18], [sflag:$0x2] =	stream.indirect.gather [hbm4b:s4+s12], $0x80, s17, s12, $0xb8;
	[tilespmem:$0x1EC00] =	vst v63  }
.LBB2_2:
0x1e: {  	_ =	swait.ge [sflag:s19], $0x4000  }
0x1f: {  	p1 =	slt.u32 s23, $0x2;
	[sflag:s19] =	ssyncset.done $0x0  }
0x20: {  	s25 =	simm.s32 @!p1 $0x3;
	[sflag:s19] =	ssyncadd.s32 $0xFFFFC000  }
0x21: {  	s26 =	sand.u32 $0x3, s22;
	s24 =	sadd.s32 s2, s23;
	_ =	swait.ge @!p1 [sflag:s25], $0x4000  }
0x22: {  	s26 =	sshll.u32 s26, $0xE;
	s28 =	sshrl.u32 s24, $0x5;
	[sflag:s25] =	ssyncset.done @!p1 $0x0  }
0x23: {  	s30 =	sadd.s32 $0x6C80, s26;
	s26 =	ssub.s32 s28, s5;
	[sflag:s25] =	ssyncadd.s32 @!p1 $0xFFFFC000  }
0x24: {  	s25 =	sshll.u32 s26, $0x9;
	v1 =	vld [tilespmem:s30+$0xFFFFFF80]  }
0x25: {  	s31 =	sshra.s32 s25, $0x2  }
0x26: {  	v0 =	vld [tilespmem:s31+$0x6400];
	_ =	sdelay $0x2  }
0x27: {  	s25 =	simm.s32 $0x1;
	v3 =	vmul.f32 $8.000000000e+00, v1  }
0x28: {  	s25 =	simm.s32 @!p0 $0x0  }
0x29: {  	v2 =	vld [tilespmem:s31+$0x6420];
	s25 =	sshll.u32 s25, $0xE;
	v4 =	vadd.f32 v3, v0  }
0x2a: {  	s25 =	sadd.s32 $0x16C80, s25;
	v1 =	vld [tilespmem:s31+$0x6410]  }
0x2b: {  	v3 =	vld [tilespmem:s31+$0x6430];
	[tilespmem:s25+$0xFFFFFF80] =	vst v4  }
0x2c: {  	v4 =	vld [tilespmem:s30+$0xFFFFFF90];
	_ =	sdelay $0x4  }
0x2d: {  	v4 =	vmul.f32 $8.000000000e+00, v4;
	_ =	sdelay $0x1  }
0x2e: {  	v4 =	vadd.f32 v4, v1;
	_ =	sdelay $0x1  }
0x2f: {  	[tilespmem:s25+$0xFFFFFF90] =	vst v4  }
0x30: {  	v4 =	vld [tilespmem:s30+$0xFFFFFFA0];
	_ =	sdelay $0x4  }
0x31: {  	v4 =	vmul.f32 $8.000000000e+00, v4;
	_ =	sdelay $0x1  }
0x32: {  	v4 =	vadd.f32 v4, v2;
	_ =	sdelay $0x1  }
0x33: {  	[tilespmem:s25+$0xFFFFFFA0] =	vst v4  }
0x34: {  	v4 =	vld [tilespmem:s30+$0xFFFFFFB0];
	_ =	sdelay $0x4  }
0x35: {  	v4 =	vmul.f32 $8.000000000e+00, v4;
	_ =	sdelay $0x1  }
0x36: {  	v4 =	vadd.f32 v4, v3;
	_ =	sdelay $0x1  }
0x37: {  	[tilespmem:s25+$0xFFFFFFB0] =	vst v4  }
0x38: {  	v4 =	vld [tilespmem:s30+$0x0];
	_ =	sdelay $0x4  }
0x39: {  	v4 =	vmul.f32 $8.000000000e+00, v4;
	_ =	sdelay $0x1  }
0x3a: {  	v4 =	vadd.f32 v4, v0;
	_ =	sdelay $0x1  }
0x3b: {  	[tilespmem:s25+$0x0] =	vst v4  }
0x3c: {  	v4 =	vld [tilespmem:s30+$0x10];
	_ =	sdelay $0x4  }
0x3d: {  	v4 =	vmul.f32 $8.000000000e+00, v4;
	_ =	sdelay $0x1  }
0x3e: {  	v4 =	vadd.f32 v4, v1;
	_ =	sdelay $0x1  }
0x3f: {  	[tilespmem:s25+$0x10] =	vst v4  }
0x40: {  	v4 =	vld [tilespmem:s30+$0x20];
	_ =	sdelay $0x4  }
0x41: {  	v4 =	vmul.f32 $8.000000000e+00, v4;
	_ =	sdelay $0x1  }
0x42: {  	v4 =	vadd.f32 v4, v2;
	_ =	sdelay $0x1  }
0x43: {  	[tilespmem:s25+$0x20] =	vst v4  }
0x44: {  	v4 =	vld [tilespmem:s30+$0x30];
	_ =	sdelay $0x4  }
0x45: {  	v4 =	vmul.f32 $8.000000000e+00, v4;
	_ =	sdelay $0x1  }
0x46: {  	s28 =	sshll.u32 s23, $0xE;
	v4 =	vadd.f32 v4, v3  }
0x47: {  	s29 =	simm.s32 $0x0;
	s31 =	sand.u32 $0xC000, s28;
	s28 =	sand.u32 $0x4000, s28  }
0x48: {  	s26 =	sadd.s32 $0x6C00, s31;
	s28 =	sadd.s32 $0x16C00, s28;
	s30 =	sadd.s32 $0x100, s30;
	[tilespmem:s25+$0x30] =	vst v4  }
.LBB2_3:
0x49: {  	v4 =	vld [tilespmem:s30+$0xFFFFFF80];
	s29 =	sadd.s32 $0x2, s29  }
0x4a: {  	p1 =	slt.u32 s29, $0x7E;
	_ =	sdelay $0x3  }
0x4b: {  	v4 =	vmul.f32 $8.000000000e+00, v4;
	_ =	sdelay $0x1  }
0x4c: {  	v4 =	vadd.f32 v4, v0  }
0x4d: {  	s25 =	sadd.s32 $0x100, s25  }
0x4e: {  	[tilespmem:s25+$0xFFFFFF80] =	vst v4  }
0x4f: {  	v4 =	vld [tilespmem:s30+$0xFFFFFF90];
	_ =	sdelay $0x4  }
0x50: {  	v4 =	vmul.f32 $8.000000000e+00, v4;
	_ =	sdelay $0x1  }
0x51: {  	v4 =	vadd.f32 v4, v1;
	_ =	sdelay $0x1  }
0x52: {  	[tilespmem:s25+$0xFFFFFF90] =	vst v4  }
0x53: {  	v4 =	vld [tilespmem:s30+$0xFFFFFFA0];
	_ =	sdelay $0x4  }
0x54: {  	v4 =	vmul.f32 $8.000000000e+00, v4;
	_ =	sdelay $0x1  }
0x55: {  	v4 =	vadd.f32 v4, v2;
	_ =	sdelay $0x1  }
0x56: {  	[tilespmem:s25+$0xFFFFFFA0] =	vst v4  }
0x57: {  	v4 =	vld [tilespmem:s30+$0xFFFFFFB0];
	_ =	sdelay $0x4  }
0x58: {  	v4 =	vmul.f32 $8.000000000e+00, v4;
	_ =	sdelay $0x1  }
0x59: {  	v4 =	vadd.f32 v4, v3;
	_ =	sdelay $0x1  }
0x5a: {  	[tilespmem:s25+$0xFFFFFFB0] =	vst v4  }
0x5b: {  	v4 =	vld [tilespmem:s30+$0x0];
	_ =	sdelay $0x4  }
0x5c: {  	v4 =	vmul.f32 $8.000000000e+00, v4;
	_ =	sdelay $0x1  }
0x5d: {  	v4 =	vadd.f32 v4, v0;
	_ =	sdelay $0x1  }
0x5e: {  	[tilespmem:s25+$0x0] =	vst v4  }
0x5f: {  	v4 =	vld [tilespmem:s30+$0x10];
	_ =	sdelay $0x4  }
0x60: {  	v4 =	vmul.f32 $8.000000000e+00, v4;
	_ =	sdelay $0x1  }
0x61: {  	v4 =	vadd.f32 v4, v1;
	_ =	sdelay $0x1  }
0x62: {  	[tilespmem:s25+$0x10] =	vst v4  }
0x63: {  	v4 =	vld [tilespmem:s30+$0x20];
	_ =	sdelay $0x4  }
0x64: {  	v4 =	vmul.f32 $8.000000000e+00, v4;
	_ =	sdelay $0x1  }
0x65: {  	v4 =	vadd.f32 v4, v2;
	_ =	sdelay $0x1  }
0x66: {  	[tilespmem:s25+$0x20] =	vst v4  }
0x67: {  	v4 =	vld [tilespmem:s30+$0x30];
	_ =	sdelay $0x4  }
.Ltmp0:
0x68: {  	v4 =	vmul.f32 $8.000000000e+00, v4;
	(pc) =	sbr.rel @p1 .LBB2_3-.Ltmp0, $3  }
0x69: {  	_ = 	snop  }
0x6a: {  	v4 =	vadd.f32 v4, v3;
	_ =	sdelay $0x1  }
0x6b: {  	s30 =	sadd.s32 $0x100, s30;
	[tilespmem:s25+$0x30] =	vst v4  }
0x6c: {  	s24 =	sshll.u32 s24, $0xB  }
0x6d: {  	p1 =	sgt.u32 s23, $0xC3;
	s24 =	sadd.s32 s6, s24  }
0x6e: {  	[hbm4b:s24+s3] =	stream.linear.scatter [tilespmem:s28], [sflag:$0x3], $0x4000, $0x38;
	[tilespmem:$0x1EC00] =	vst v63  }
0x6f: {  	s24 =	sshll.u32 @!p1 s23, $0x7  }
0x70: {  	s24 =	sand.u32 @!p1 $0x3FFFFF80, s24  }
0x71: {  	s25 =	simm.s32 @!p1 $0x80;
	s23 =	sadd.s32 $0x1, s23;
	s24 =	sadd.s32 @!p1 $0x200, s24  }
0x72: {  	[tilespmem:s26], [sflag:$0x2] =	stream.indirect.gather @!p1 [hbm4b:s4+s25], $0x80, s24, s25, $0xb8;
	[tilespmem:$0x1EC00] =	vst v63  }
0x73: {  	p1 =	sne.s32 s23, $0xC8  }
.Ltmp1:
0x74: {  	_ = 	snop;
	(pc) =	sbr.rel @p1 .LBB2_2-.Ltmp1, $2  }
0x75: {  	_ =	sdelay $0x2  }
0x76: {  	p0 =	por !p0, !p0;
	s22 =	sadd.s32 $0x1, s22  }
0x77: {  	s21 =	sadd.s32 $0x1, s21  }
0x78: {  	_ =	swait.ge [sflag:s20], $0x4000;
	p0 =	sne.s32 s21, s9  }
.Ltmp2:
0x79: {  	[sflag:s20] =	ssyncset.done $0x0;
	(pc) =	sbr.rel @p0 .LBB2_1-.Ltmp2, $4  }
0x7a: {  	[sflag:s20] =	ssyncadd.s32 $0xFFFFC000  }
0x7b: {  	_ =	swait.ge [sflag:s20], $0x4000  }
0x7c: {  	[sflag:s20] =	ssyncset.done $0x0  }
0x7d: {  	[sflag:s20] =	ssyncadd.s32 $0xFFFFC000  }
0x7e: {  	_ =	sfence.sel $0x180000  }
0x7f: {  	[bflag:$0x0] =	sbarrier.arrive $0xFFFF  }
0x80: {  	p0 =	sne.s32 s0, $0x0;
	_ =	strace $0x9000004A  }
0x81: {  	s0 =	sadd.s32 @!p0 $0x100000, s1;
	[bflag:$0x2] =	sbarrier.arrive $0xFFFF  }
0x82: {  	[sflag:s0] =	ssyncadd.tile.s32 @!p0 $0x1;
	_ =	shalt  }
.Lfunc_end2:
_tile_overlayer_lowered:
.L_overlay_start_2:
0x83: {  	(tag) =	ssettag $0x2  }
0x84: {  	s0 =	rddreg [dreg:$0x0];
	s2 =	stileid.u32  }
0x85: {  	s1 =	rddreg [dreg:$0x1];
	p0 =	sne.s32 s2, $0x0  }
0x86: {  	s3 =	rddreg [dreg:$0x2];
	[bflag:$0x3] =	sbarrier.arrive $0xFFFF;
	s2 =	simm.s32 @!p0 $0x1C04  }
0x87: {  	[timem:s3], [sflag:s2] =	dma.local @!p0 [hbm:s0], s1  }
0x88: {  	s0 =	simm.s32 @!p0 $0x4  }
0x89: {  	_ =	swait.ge @!p0 [sflag:s0], s1  }
0x8a: {  	s1 =	ssub.s32 @!p0 $0x0, s1;
	[sflag:s0] =	ssyncset.done @!p0 $0x0  }
0x8b: {  	[sflag:s0] =	ssyncadd.s32 @!p0 s1  }
0x8c: {  	[bflag:$0x3] =	sbarrier.arrive $0xFFFF  }
0x8d: {  	_ =	shalt  }

// kernel: sparse-core-data-format-call.1.cloned.1.call-start
scs
called_computation.1_lowered:
.L_overlay_start_0:
0x0: {  	s2 =	sld [smem:$0x3FD9]  }
0x1: {  	s3 =	sld [smem:$0x3FFE];
	_ =	sdelay $0x1  }
0x2: {  	s1 =	srdreg.scid  }
0x3: {  	s0 =	sand.u32 $0x1, s1  }
0x4: {  	s18 =	sshll.u32 s0, $0xA;
	s2 =	sadd.s32 s3, s2  }
0x5: {  	s2 =	sadd.s32 s2, s18  }
0x6: {  	[smem:$0x3FC4] =	sst s2  }
0x7: {  	_ = 	snop  }
0x8: {  	s2 =	sld [smem:$0x3FC8];
	(tm) =	ssettm $0x1  }
0x9: {  	s19 =	sld [smem:$0x3FFB];
	_ =	sdelay $0x3  }
0xa: {  	_ =	strace s19  }
0xb: {  	s3 =	sld [smem:$0x3FFC];
	_ =	sdelay $0x3  }
0xc: {  	_ =	strace s3  }
0xd: {  	s3 =	sld [smem:$0x3FFD];
	_ =	sdelay $0x3  }
0xe: {  	_ =	strace s3  }
0xf: {  	_ =	strace $0x8FFFFFFF  }
0x10: {  	s20 =	sld [smem:$0x3FDB];
	_ =	sdelay $0x1  }
0x11: {  	s4 =	simm.s32 $_scs_section_size  }
0x12: {  	s5 =	simm.s32 $_size__tile_overlayer_lowered;
	s6 =	simm.s32 $_tile_overlayer_lowered  }
0x13: {  	s23 =	simm.s32 $0x1BFF;
	s22 =	sshll.u32 s6, $0x1;
	s3 =	sadd.s32 s4, s20  }
0x14: {  	s7 =	simm.s32 $0x0;
	s21 =	sshll.u32 s5, $0x1;
	s5 =	sadd.s32 s22, s3  }
0x15: {  	[timem:s7], [sflag:s23] =	dma.local [hbm:s5], s21  }
0x16: {  	_ =	swait.ge [sflag:s23], s21  }
0x17: {  	s4 =	ssub.s32 $0x0, s21;
	[sflag:s23] =	ssyncset.done $0x0  }
0x18: {  	[sflag:s23] =	ssyncadd.s32 s4;
	_ =	sdelay $0x1  }
0x19: {  	s24 =	simm.s32 $0x1B8B  }
0x1a: {  	_ =	swait.ge [sflag:s24], $0x1  }
0x1b: {  	[sflag:s24] =	ssyncset.done $0x0  }
0x1c: {  	s26 =	simm.s32 $0x1B8E;
	s25 =	sld [smem:$0x3FFE];
	[sflag:s24] =	ssyncadd.s32 $0xFFFFFFFF  }
0x1d: {  	s27 =	simm.s32 $execute0_lowered;
	[smem:$0x3FD2] =	sst s26  }
0x1e: {  	s5 =	sshll.u32 s27, $0x1;
	_ =	strace $0x80000046;
	[dreg:$0x1] =	wrdreg $0xFFFFFFFF  }
0x1f: {  	s28 =	simm.s32 $_size_execute0_lowered;
	s3 =	sadd.s32 s3, s5;
	[dreg:$0x0] =	wrdreg $0x0  }
0x20: {  	s5 =	sshll.u32 s28, $0x1;
	[dreg:$0x2] =	wrdreg s3  }
0x21: {  	[dreg:$0x3] =	wrdreg s5  }
0x22: {  	[dreg:$0x4] =	wrdreg $0xC0  }
0x23: {  	_ =	task [dreg:s7], $0x5FFFF  }
0x24: {  	[dreg:$0x1] =	wrdreg $0xFFFFFFFF  }
0x25: {  	[dreg:$0x0] =	wrdreg $0x60  }
0x26: {  	[dreg:$0x2] =	wrdreg s2  }
0x27: {  	[dreg:$0x3] =	wrdreg s25  }
0x28: {  	[dreg:$0x4] =	wrdreg $0x9  }
0x29: {  	_ =	task.clear_ibuf [dreg:s7], $0x5FFFF;
	_ =	strace $0x90000046  }
0x2a: {  	s29 =	simm.s32 $0x9;
	_ =	strace $0x80000048  }
0x2b: {  	_ =	swait.ge [sflag:s29], $0x1  }
0x2c: {  	[sflag:s29] =	ssyncadd.s32 $0xFFFFFFFF  }
0x2d: {  	_ =	strace $0x90000048  }
0x2e: {  	_ =	sfence  }
0x2f: {  	s30 =	sld [smem:$0x0];
	_ =	sdelay $0x2  }
0x30: {  	s31 =	sshll.u32 s1, $0xD;
	s1 =	sshrl.u32 s1, $0x2  }
0x31: {  	s3 =	sand.u32 $0x4000, s31;
	s1 =	sadd.s32 s1, s30  }
0x32: {  	s0 =	sor.u32 s3, s0;
	s1 =	sshll.u32 s1, $0x11  }
0x33: {  	s0 =	sor.u32 s1, s0  }
0x34: {  	s0 =	sadd.s32 $0x8F2B, s0  }
0x35: {  	[sflag:s0] =	ssyncadd.remote.s32 $0x1  }
0x36: {  	_ =	sfence.sel $0xFFFF  }
0x37: {  	[dreg:$0x0] =	wrdreg $0xFFFFFFFF;
	(pc) =	sbr.abs _section_cstart, $3  }
0x38: {  	[dreg:$0x1] =	wrdreg $0xFFFFFFFF  }
0x39: {  	_ =	task.clear_ibuf [dreg:s7], $0x2FFFF;
	_ =	strace $0x9FFFFFFF  }
0x3a: {  	(tm) =	ssettm $0x7FFFFFFF  }
0x3b: {  	_ =	shalt  }
tec
execute0_lowered:
.L_overlay_start_1:
0x0: {  	(tag) =	ssettag $0x1  }
0x1: {  	s0 =	srdreg.scid;
	s2 =	rddreg [dreg:$0x0]  }
0x2: {  	s5 =	rddreg [dreg:$0x1];
	s1 =	stileid.u32  }
0x3: {  	s4 =	simm.s32 $0x1;
	s6 =	simm.s32 $0x2;
	s15 =	simm.s32 $0x0  }
0x4: {  	p0 =	por $0x0, $0x0;
	s8 =	simm.s32 $0x80;
	s0 =	sshll.u32 s0, $0x4  }
0x5: {  	s14 =	simm.s32 $0x0;
	s9 =	simm.s32 $0x0;
	s3 =	sand.u32 $0x10, s0  }
.Ltmp0:
0x6: {  	s10 =	simm.s32 $0x0;
	s3 =	sor.u32 s1, s3;
	(pc) =	sbr.rel .LBB1_1-.Ltmp0, $4  }
0x7: {  	s0 =	rddreg [dreg:$0x2];
	_ =	strace $0x80000047;
	s3 =	sshll.u32 s3, $0x7  }
0x8: {  	s12 =	simm.s32 $0x0;
	[sflag:s4] =	ssyncpa.u1 $0x0;
	s7 =	ssub.s32 $0xF4200, s3  }
0x9: {  	s13 =	simm.s32 $0x0;
	[sflag:s6] =	ssyncpa.u1 $0x0;
	s6 =	sshrl.u32 s7, $0xC  }
0xa: {  	s5 =	sadd.s32 $0x1000, s5;
	s11 =	smov.u32 s3;
	s7 =	sadd.s32 $0x2, s6  }
.LBB1_5:
0xb: {  	p1 =	slt.u32 s13, $0x2  }
0xc: {  	s17 =	smov.u32 s15;
	p2 =	sgt.s32 @!p1 s15, $0xF41C0;
	s16 =	sshra.s32 @!p1 s15, $0x1F  }
0xd: {  	p3 =	sgt.s32 @!p1 s14, $0x40;
	s18 =	sshra.s32 @!p1 s14, $0x1F;
	p2 =	por !p2, p1  }
0xe: {  	s15 =	sand.u32 @!p1 s16, s15;
	p3 =	por !p3, p1;
	s16 =	smov.u32 s14  }
0xf: {  	s14 =	sand.u32 @!p1 s18, s14;
	s17 =	simm.s32 @p2 $0xF41C0;
	s16 =	simm.s32 @p3 $0x40  }
0x10: {  	s15 =	ssub.s32 @!p1 s17, s15;
	s14 =	ssub.s32 @!p1 s16, s14  }
0x11: {  	s18 =	smov.u32 s12;
	s16 =	sadd.s32 @!p1 $0xFFF0BE40, s15;
	s17 =	sadd.s32 @!p1 $0xFFFFFFC0, s14  }
0x12: {  	s15 =	ssub.s32 @!p1 $0xF4240, s15;
	p2 =	sgt.s32 @!p1 s16, $0x7F;
	p3 =	sgt.s32 @!p1 s17, $0x3F  }
0x13: {  	s14 =	ssub.s32 @!p1 $0x80, s14;
	p2 =	por !p2, p1;
	p3 =	por !p3, p1  }
0x14: {  	s16 =	sadd.s32 $0x1000, s11;
	s15 =	simm.s32 @!p2 $0x0;
	s14 =	simm.s32 @!p3 $0x0  }
0x15: {  	p2 =	sgt.s32 s16, $0xF423F;
	s14 =	smul.u32 @!p1 s14, s15;
	s15 =	sadd.s32 $0x40, s12  }
0x16: {  	s18 =	smov.u32 @p2 s15  }
0x17: {  	s16 =	smov.u32 @p2 s3;
	p2 =	sgt.s32 s18, $0x3F  }
0x18: {  	s18 =	simm.s32 @p2 $0x0;
	p2 =	sne.s32 s13, s7  }
.Ltmp1:
0x19: {  	p0 =	por !p0, !p0;
	s17 =	simm.s32 @!p1 $0x2;
	(pc) =	sbr.rel @!p2 .LBB1_6-.Ltmp1, $4  }
0x1a: {  	s15 =	smov.u32 s9;
	s9 =	smov.u32 s11;
	s14 =	sand.u32 @!p1 $0x3FFFFFFF, s14  }
0x1b: {  	s11 =	smov.u32 s16;
	_ =	swait.ge @!p1 [sflag:s17], s14;
	s19 =	ssub.s32 @!p1 $0x0, s14  }
0x1c: {  	s14 =	smov.u32 s10;
	s13 =	sadd.s32 $0x1, s13;
	[sflag:s17] =	ssyncset.done @!p1 $0x0  }
0x1d: {  	s10 =	smov.u32 s12;
	s12 =	smov.u32 s18;
	[sflag:s17] =	ssyncadd.s32 @!p1 s19  }
.LBB1_1:
0x1e: {  	p1 =	sgt.u32 s13, s6  }
0x1f: {  	s16 =	sshrl.u32 @!p1 s12, $0x3  }
0x20: {  	s17 =	sshll.u32 @!p1 s11, $0x3;
	s16 =	smul.u32 @!p1 $0x7A1400, s16  }
0x21: {  	s18 =	sshll.u32 @!p1 s12, $0x7;
	s17 =	sand.u32 @!p1 $0xFFFFFC00, s17  }
0x22: {  	s16 =	sadd.s32 @!p1 s16, s17;
	s17 =	sand.u32 @!p1 $0x380, s18  }
0x23: {  	s18 =	sand.u32 @!p1 $0x7F, s11;
	s16 =	sor.u32 @!p1 s17, s16  }
0x24: {  	s17 =	sor.u32 @!p1 s18, s16  }
0x25: {  	s18 =	smulhi.u32 @!p1 $0x218D6287, s17;
	_ =	sdelay $0x1  }
0x26: {  	s16 =	smulhi.u32 @!p1 $0x218D6287, s16;
	s18 =	sshrl.u32 @!p1 s18, $0x11  }
0x27: {  	s18 =	smul.u32 @!p1 $0xF4280, s18  }
0x28: {  	s19 =	sxor.u32 @!p1 $0xFFFFFFFF, s13;
	s16 =	sshrl.u32 @!p1 s16, $0x11  }
0x29: {  	s19 =	sshll.u32 @!p1 s19, $0xD;
	s16 =	sand.u32 @!p1 $0x3F, s16;
	s17 =	ssub.s32 @!p1 s17, s18  }
0x2a: {  	s16 =	smul.u32 @!p1 $0x1E850, s16;
	s18 =	sshrl.u32 @!p1 s17, $0x3;
	s17 =	sand.u32 @!p1 $0x7, s17  }
0x2b: {  	s19 =	sand.u32 @!p1 $0x2000, s19;
	s18 =	sadd.s32 @!p1 s2, s18;
	s17 =	sshll.u32 @!p1 s17, $0x12  }
0x2c: {  	s16 =	sadd.s32 @!p1 s16, s18;
	s17 =	sor.u32 @!p1 $0x400, s17;
	s18 =	simm.s32 @!p1 $0x7A1400  }
0x2d: {  	[tilespmem:s19], [sflag:$0x1] =	stream.strided.gather @!p1 [hbm4b:s16+s17], $0x2000, s18, s17, $0x38;
	[tilespmem:$0x8100] =	vst v63  }
0x2e: {  	p1 =	seq.s32 s13, $0x0  }
0x2f: {  	p2 =	sge.u32 @!p1 s13, s7  }
0x30: {  	p1 =	por p1, p2  }
.Ltmp2:
0x31: {  	_ = 	snop;
	(pc) =	sbr.rel @p1 .LBB1_5-.Ltmp2, $1  }
0x32: {  	_ =	sdelay $0x3  }
0x33: {  	s16 =	simm.s32 $0x1  }
0x34: {  	_ =	swait.ge [sflag:s4], $0x2000;
	s16 =	simm.s32 @!p0 $0x0  }
0x35: {  	[sflag:s4] =	ssyncset.done $0x0;
	s17 =	sshll.u32 s16, $0xD  }
0x36: {  	[sflag:s4] =	ssyncadd.s32 $0xFFFFE000;
	s17 =	sor.u32 $0x40, s17  }
0x37: {  	s16 =	smul.u32 $0x8200, s16;
	v0 =	vld [tilespmem:s17+$0x30]  }
0x38: {  	v1 =	vld [tilespmem:s17+$0xFFFFFFD0]  }
0x39: {  	s16 =	sshrl.u32 s16, $0x2;
	v5 =	vld [tilespmem:s17+$0xFFFFFFE0]  }
0x3a: {  	v6 =	vld [tilespmem:s17+$0xFFFFFFF0];
	s19 =	sor.u32 $0x4000, s16  }
0x3b: {  	s31 =	sand.u32 $0x1, s13;
	v4 =	vld [tilespmem:s17+$0x0];
	s18 =	sadd.s32 $0x0, s19  }
0x3c: {  	v3 =	vld [tilespmem:s17+$0x10];
	s16 =	smul.u32 $0x8200, s31;
	[tilespmem:s18+$0x1C70 ss:$0x41] =	vst.msk $0xffff, v0  }
0x3d: {  	v2 =	vld [tilespmem:s17+$0x20];
	[tilespmem:s18+$0x410 ss:$0x41] =	vst.msk $0xffff, v1  }
0x3e: {  	s16 =	sshrl.u32 s16, $0x2;
	v1 =	vld [tilespmem:s17+$0xFFFFFFC0];
	[tilespmem:s18+$0x820 ss:$0x41] =	vst.msk $0xffff, v5;
	s17 =	sadd.s32 $0x80, s17  }
0x3f: {  	s20 =	simm.s32 $0x4;
	s21 =	simm.s32 $0x8;
	s16 =	sor.u32 $0x4000, s16;
	[tilespmem:s18+$0xC30 ss:$0x41] =	vst.msk $0xffff, v6;
	v0 =	vld [tilespmem:s17+$0x30]  }
.LBB1_3:
0x40: {  	p1 =	sne.s32 s21, $0xFC;
	v5 =	vld [tilespmem:s17+$0xFFFFFFD0];
	[tilespmem:s18+$0x1040 ss:$0x41] =	vst.msk $0xffff, v4  }
0x41: {  	v6 =	vld [tilespmem:s17+$0xFFFFFFE0];
	[tilespmem:s18+$0x1450 ss:$0x41] =	vst.msk $0xffff, v3  }
0x42: {  	s22 =	sshra.s32 s20, $0x2;
	s20 =	smov.u32 s21;
	v7 =	vld [tilespmem:s17+$0xFFFFFFF0];
	[tilespmem:s18+$0x1860 ss:$0x41] =	vst.msk $0xffff, v2  }
.Ltmp3:
0x43: {  	v4 =	vld [tilespmem:s17+$0x0];
	[tilespmem:s18+$0x0 ss:$0x41] =	vst.msk $0xffff, v1;
	s18 =	sadd.s32 s22, s19;
	(pc) =	sbr.rel @p1 .LBB1_3-.Ltmp3, $4  }
0x44: {  	v3 =	vld [tilespmem:s17+$0x10];
	[tilespmem:s18+$0x1C70 ss:$0x41] =	vst.msk $0xffff, v0  }
0x45: {  	[tilespmem:s18+$0x410 ss:$0x41] =	vst.msk $0xffff, v5;
	v2 =	vld [tilespmem:s17+$0x20]  }
0x46: {  	v1 =	vld [tilespmem:s17+$0xFFFFFFC0];
	[tilespmem:s18+$0x820 ss:$0x41] =	vst.msk $0xffff, v6;
	s17 =	sadd.s32 $0x80, s17  }
0x47: {  	s21 =	sadd.s32 $0x4, s21;
	v0 =	vld [tilespmem:s17+$0x30];
	[tilespmem:s18+$0xC30 ss:$0x41] =	vst.msk $0xffff, v7  }
0x48: {  	s21 =	sshll.u32 s9, $0x7;
	s22 =	sshll.u32 s10, $0x3;
	s20 =	sshra.s32 s20, $0x2  }
0x49: {  	p1 =	sgt.s32 s9, $0xF41C0;
	s30 =	sshra.s32 s9, $0x1F;
	s25 =	sshra.s32 s10, $0x1F  }
0x4a: {  	v5 =	vld [tilespmem:s17+$0xFFFFFFD0];
	s28 =	sshrl.u32 s10, $0x3;
	s23 =	sand.u32 $0xFFFFFC00, s21;
	s22 =	sand.u32 $0xFFFFFC00, s22  }
0x4b: {  	[tilespmem:s18+$0x1040 ss:$0x41] =	vst.msk $0xffff, v4;
	v58 =	vld [tilespmem:s17+$0xFFFFFFE0];
	s21 =	sand.u32 $0x380, s21;
	s19 =	sadd.s32 s20, s19;
	s22 =	sadd.s32 s22, s23  }
0x4c: {  	v59 =	vld [tilespmem:s17+$0xFFFFFFF0];
	[tilespmem:s18+$0x1450 ss:$0x41] =	vst.msk $0xffff, v3;
	s29 =	sor.u32 s21, s22;
	s21 =	smov.u32 s9;
	s22 =	sand.u32 s30, s9  }
0x4d: {  	v60 =	vld [tilespmem:s17+$0x0];
	[tilespmem:s18+$0x1860 ss:$0x41] =	vst.msk $0xffff, v2;
	s30 =	sand.u32 $0x7, s10;
	s20 =	sshrl.u32 s29, $0x7;
	s21 =	simm.s32 @!p1 $0xF41C0  }
0x4e: {  	v61 =	vld [tilespmem:s17+$0x10];
	[tilespmem:s18+$0x0 ss:$0x41] =	vst.msk $0xffff, v1;
	p1 =	sgt.s32 s10, $0x40;
	s24 =	ssub.s32 s21, s22;
	s21 =	smov.u32 s10  }
0x4f: {  	v62 =	vld [tilespmem:s17+$0x20];
	[tilespmem:s19+$0x1C70 ss:$0x41] =	vst.msk $0xffff, v0;
	s31 =	smulhi.u32 $0x218DEF5, s20;
	s22 =	sand.u32 s25, s10;
	s21 =	simm.s32 @!p1 $0x40  }
0x50: {  	v63 =	vld [tilespmem:s17+$0xFFFFFFC0];
	[tilespmem:s19+$0x410 ss:$0x41] =	vst.msk $0xffff, v5;
	s26 =	sadd.s32 $0xFFF0BE40, s24;
	s17 =	ssub.s32 $0xF4240, s24;
	s21 =	ssub.s32 s21, s22  }
0x51: {  	[tilespmem:s19+$0x820 ss:$0x41] =	vst.msk $0xffff, v58;
	s23 =	sshrl.u32 s31, $0xD;
	p1 =	sgt.s32 s26, $0x7F;
	s27 =	sadd.s32 $0xFFFFFFC0, s21  }
0x52: {  	[tilespmem:s19+$0xC30 ss:$0x41] =	vst.msk $0xffff, v59;
	s23 =	smul.u32 $0xF4240, s23;
	s18 =	ssub.s32 $0x80, s21;
	p2 =	sgt.s32 s27, $0x3F  }
.Ltmp4:
0x53: {  	[tilespmem:s19+$0x1040 ss:$0x41] =	vst.msk $0xffff, v60;
	s17 =	simm.s32 @p1 $0x0;
	s18 =	simm.s32 @p2 $0x0;
	(pc) =	sbr.rel .LBB1_5-.Ltmp4, $4  }
0x54: {  	s29 =	sand.u32 $0xF, s28;
	[tilespmem:s19+$0x1450 ss:$0x41] =	vst.msk $0xffff, v61;
	s20 =	ssub.s32 s20, s23;
	s17 =	smul.u32 s18, s17  }
0x55: {  	[tilespmem:s19+$0x1860 ss:$0x41] =	vst.msk $0xffff, v62;
	s21 =	sshll.u32 s30, $0x12;
	s20 =	sshll.u32 s20, $0x4;
	s18 =	sadd.s32 s5, s29  }
0x56: {  	[tilespmem:s19+$0x0 ss:$0x41] =	vst.msk $0xffff, v63;
	s31 =	sor.u32 $0x40, s21;
	s18 =	sadd.s32 s20, s18;
	s17 =	sand.u32 $0x3FFFFFFF, s17  }
0x57: {  	[hbm4b:s18+s31] =	stream.strided.scatter [tilespmem:s16], [sflag:$0x2], s17, s8, s31, $0x18;
	[tilespmem:$0x8100] =	vst v63  }
.LBB1_6:
0x58: {  	_ =	sfence.sel $0x180000  }
0x59: {  	s2 =	simm.s32 $0x1;
	[bflag:$0x0] =	sbarrier.arrive $0xFFFF  }
0x5a: {  	s31 =	simm.s32 $0x2;
	[sflag:s2] =	ssyncpa.u1 $0x1  }
0x5b: {  	[sflag:s31] =	ssyncpa.u1 $0x1  }
0x5c: {  	p0 =	sne.s32 s1, $0x0;
	_ =	strace $0x90000047  }
0x5d: {  	s0 =	sadd.s32 @!p0 $0x100000, s0;
	[bflag:$0x2] =	sbarrier.arrive $0xFFFF  }
0x5e: {  	[sflag:s0] =	ssyncadd.tile.s32 @!p0 $0x1;
	_ =	shalt  }
.Lfunc_end1:
_tile_overlayer_lowered:
.L_overlay_start_2:
0x5f: {  	(tag) =	ssettag $0x2  }
0x60: {  	s0 =	rddreg [dreg:$0x0];
	s2 =	stileid.u32  }
0x61: {  	s1 =	rddreg [dreg:$0x1];
	p0 =	sne.s32 s2, $0x0  }
0x62: {  	s3 =	rddreg [dreg:$0x2];
	[bflag:$0x3] =	sbarrier.arrive $0xFFFF;
	s2 =	simm.s32 @!p0 $0x1C01  }
0x63: {  	[timem:s3], [sflag:s2] =	dma.local @!p0 [hbm:s0], s1  }
0x64: {  	s0 =	simm.s32 @!p0 $0x1  }
0x65: {  	_ =	swait.ge @!p0 [sflag:s0], s1  }
0x66: {  	s1 =	ssub.s32 @!p0 $0x0, s1;
	[sflag:s0] =	ssyncset.done @!p0 $0x0  }
0x67: {  	[sflag:s0] =	ssyncadd.s32 @!p0 s1  }
0x68: {  	[bflag:$0x3] =	sbarrier.arrive $0xFFFF  }
0x69: {  	_ =	shalt  }

// kernel: sparse-core-data-format-call.cloned.1.call-start
scs
called_computation_lowered:
.L_overlay_start_0:
0x0: {  	s2 =	sld [smem:$0x3FD9]  }
0x1: {  	s3 =	sld [smem:$0x3FFE];
	_ =	sdelay $0x1  }
0x2: {  	s1 =	srdreg.scid  }
0x3: {  	s0 =	sand.u32 $0x1, s1  }
0x4: {  	s18 =	sshll.u32 s0, $0xA;
	s2 =	sadd.s32 s3, s2  }
0x5: {  	s2 =	sadd.s32 s2, s18  }
0x6: {  	[smem:$0x3FC4] =	sst s2  }
0x7: {  	_ = 	snop  }
0x8: {  	s2 =	sld [smem:$0x3FD0];
	(tm) =	ssettm $0x1  }
0x9: {  	s19 =	sld [smem:$0x3FFB];
	_ =	sdelay $0x3  }
0xa: {  	_ =	strace s19  }
0xb: {  	s3 =	sld [smem:$0x3FFC];
	_ =	sdelay $0x3  }
0xc: {  	_ =	strace s3  }
0xd: {  	s3 =	sld [smem:$0x3FFD];
	_ =	sdelay $0x3  }
0xe: {  	_ =	strace s3  }
0xf: {  	_ =	strace $0x8FFFFFFF  }
0x10: {  	s20 =	sld [smem:$0x3FDB];
	_ =	sdelay $0x1  }
0x11: {  	s4 =	simm.s32 $_scs_section_size  }
0x12: {  	s5 =	simm.s32 $_size__tile_overlayer_lowered;
	s6 =	simm.s32 $_tile_overlayer_lowered  }
0x13: {  	s23 =	simm.s32 $0x1BFF;
	s22 =	sshll.u32 s6, $0x1;
	s3 =	sadd.s32 s4, s20  }
0x14: {  	s7 =	simm.s32 $0x0;
	s21 =	sshll.u32 s5, $0x1;
	s5 =	sadd.s32 s22, s3  }
0x15: {  	[timem:s7], [sflag:s23] =	dma.local [hbm:s5], s21  }
0x16: {  	_ =	swait.ge [sflag:s23], s21  }
0x17: {  	s4 =	ssub.s32 $0x0, s21;
	[sflag:s23] =	ssyncset.done $0x0  }
0x18: {  	[sflag:s23] =	ssyncadd.s32 s4;
	_ =	sdelay $0x1  }
0x19: {  	s24 =	simm.s32 $0x1B8B  }
0x1a: {  	_ =	swait.ge [sflag:s24], $0x1  }
0x1b: {  	[sflag:s24] =	ssyncset.done $0x0  }
0x1c: {  	s26 =	simm.s32 $0x1B8E;
	s25 =	sld [smem:$0x3FFE];
	[sflag:s24] =	ssyncadd.s32 $0xFFFFFFFF  }
0x1d: {  	s27 =	simm.s32 $execute0_lowered;
	[smem:$0x3FD2] =	sst s26  }
0x1e: {  	s5 =	sshll.u32 s27, $0x1;
	_ =	strace $0x8000004C;
	[dreg:$0x1] =	wrdreg $0xFFFFFFFF  }
0x1f: {  	s28 =	simm.s32 $_size_execute0_lowered;
	s3 =	sadd.s32 s3, s5;
	[dreg:$0x0] =	wrdreg $0x0  }
0x20: {  	s5 =	sshll.u32 s28, $0x1;
	[dreg:$0x2] =	wrdreg s3  }
0x21: {  	[dreg:$0x3] =	wrdreg s5  }
0x22: {  	[dreg:$0x4] =	wrdreg $0xC0  }
0x23: {  	_ =	task [dreg:s7], $0x5FFFF  }
0x24: {  	[dreg:$0x1] =	wrdreg $0xFFFFFFFF  }
0x25: {  	[dreg:$0x0] =	wrdreg $0x60  }
0x26: {  	[dreg:$0x2] =	wrdreg s25  }
0x27: {  	[dreg:$0x3] =	wrdreg s2  }
0x28: {  	[dreg:$0x4] =	wrdreg $0x9  }
0x29: {  	_ =	task.clear_ibuf [dreg:s7], $0x5FFFF;
	_ =	strace $0x9000004C  }
0x2a: {  	s29 =	simm.s32 $0x9;
	_ =	strace $0x8000004E  }
0x2b: {  	_ =	swait.ge [sflag:s29], $0x1  }
0x2c: {  	[sflag:s29] =	ssyncadd.s32 $0xFFFFFFFF  }
0x2d: {  	_ =	strace $0x9000004E  }
0x2e: {  	_ =	sfence  }
0x2f: {  	s30 =	sld [smem:$0x0];
	_ =	sdelay $0x2  }
0x30: {  	s31 =	sshll.u32 s1, $0xD;
	s1 =	sshrl.u32 s1, $0x2  }
0x31: {  	s3 =	sand.u32 $0x4000, s31;
	s1 =	sadd.s32 s1, s30  }
0x32: {  	s0 =	sor.u32 s3, s0;
	s1 =	sshll.u32 s1, $0x11  }
0x33: {  	s0 =	sor.u32 s1, s0  }
0x34: {  	s0 =	sadd.s32 $0x8F2B, s0  }
0x35: {  	[sflag:s0] =	ssyncadd.remote.s32 $0x1  }
0x36: {  	_ =	sfence.sel $0xFFFF  }
0x37: {  	[dreg:$0x0] =	wrdreg $0xFFFFFFFF;
	(pc) =	sbr.abs _section_cstart, $3  }
0x38: {  	[dreg:$0x1] =	wrdreg $0xFFFFFFFF  }
0x39: {  	_ =	task.clear_ibuf [dreg:s7], $0x2FFFF;
	_ =	strace $0x9FFFFFFF  }
0x3a: {  	(tm) =	ssettm $0x7FFFFFFF  }
0x3b: {  	_ =	shalt  }
tec
execute0_lowered:
.L_overlay_start_1:
0x0: {  	(tag) =	ssettag $0x1  }
0x1: {  	s0 =	srdreg.scid  }
0x2: {  	s1 =	sshll.u32 s0, $0x4  }
0x3: {  	s5 =	rddreg [dreg:$0x0];
	s0 =	stileid.u32;
	s1 =	sand.u32 $0x10, s1  }
0x4: {  	s3 =	rddreg [dreg:$0x1];
	s31 =	simm.s32 $0x2;
	s4 =	sor.u32 s0, s1  }
0x5: {  	s13 =	simm.s32 $0x0;
	s9 =	simm.s32 $0x400;
	s2 =	sshll.u32 s4, $0x7  }
0x6: {  	s10 =	simm.s32 $0x8000;
	s14 =	simm.s32 $0x0;
	s6 =	ssub.s32 $0x1000, s2  }
0x7: {  	s1 =	rddreg [dreg:$0x2];
	_ =	strace $0x8000004D;
	s7 =	sand.u32 $0xF80, s6  }
0x8: {  	s4 =	sshll.u32 s4, $0xB;
	p0 =	sne.s32 s7, $0x0;
	s7 =	simm.s32 $0x1  }
.Ltmp0:
0x9: {  	s6 =	sshrl.u32 s6, $0xC;
	s7 =	simm.s32 @!p0 $0x0;
	(pc) =	sbr.rel .LBB1_1-.Ltmp0, $4  }
0xa: {  	s8 =	sadd.s32 s4, s5;
	s4 =	simm.s32 $0x1;
	s30 =	sadd.s32 s7, s6  }
0xb: {  	s11 =	simm.s32 $0x0;
	[sflag:s4] =	ssyncpa.u1 $0x0;
	s5 =	smul.u32 $0x64, s30  }
0xc: {  	s12 =	simm.s32 $0x0;
	[sflag:s31] =	ssyncpa.u1 $0x0;
	p0 =	por $0x0, $0x0  }
0xd: {  	s6 =	sadd.s32 $0x1000, s8;
	s7 =	sadd.s32 $0x11000, s8;
	s8 =	sor.u32 $0x1, s5  }
.LBB1_7:
0xe: {  	s15 =	sadd.s32 $0x2, s11  }
0xf: {  	p2 =	sgt.s32 s15, $0xC7  }
0x10: {  	s15 =	simm.s32 @p2 $0x0;
	p2 =	sne.s32 s12, s8  }
.Ltmp1:
0x11: {  	p1 =	slt.u32 s12, $0x2;
	(pc) =	sbr.rel @!p2 .LBB1_8-.Ltmp1, $4  }
0x12: {  	s13 =	simm.s32 @!p1 $0x2  }
0x13: {  	s16 =	sadd.s32 $0x1, s12;
	s14 =	smov.u32 s11;
	_ =	swait.ge @!p1 [sflag:s13], $0x4000  }
0x14: {  	p0 =	por !p0, !p0;
	s12 =	smov.u32 s16;
	[sflag:s13] =	ssyncset.done @!p1 $0x0  }
0x15: {  	s11 =	smov.u32 s15;
	[sflag:s13] =	ssyncadd.s32 @!p1 $0xFFFFC000;
	s13 =	smov.u32 s2  }
.LBB1_1:
0x16: {  	p1 =	sge.u32 s12, s5  }
0x17: {  	s15 =	sxor.u32 @!p1 $0xFFFFFFFF, s12  }
0x18: {  	s16 =	sshll.u32 @!p1 s11, $0x10;
	s18 =	simm.s32 @!p1 $0x40;
	s15 =	sshll.u32 @!p1 s15, $0xE  }
0x19: {  	s19 =	simm.s32 @!p1 $0x80;
	s17 =	sadd.s32 @!p1 s16, s6;
	s15 =	sand.u32 @!p1 $0x4000, s15  }
0x1a: {  	[tilespmem:s15], [sflag:$0x1] =	stream.strided.gather @!p1 [hbm4b:s17+s18], $0x2000, s19, s18, $0x38;
	[tilespmem:$0x10100] =	vst v63  }
0x1b: {  	s31 =	sadd.s32 $0xFFFFFFFF, s12;
	s16 =	sadd.s32 @!p1 s16, s7;
	s15 =	sor.u32 @!p1 $0x2000, s15  }
0x1c: {  	[tilespmem:s15], [sflag:$0x1] =	stream.strided.gather @!p1 [hbm4b:s16+s18], $0x2000, s19, s18, $0x38;
	[tilespmem:$0x10100] =	vst v63  }
0x1d: {  	p1 =	sge.u32 s31, s5  }
.Ltmp2:
0x1e: {  	_ = 	snop;
	(pc) =	sbr.rel @p1 .LBB1_7-.Ltmp2, $1  }
0x1f: {  	_ =	sdelay $0x3  }
0x20: {  	s15 =	simm.s32 $0x1;
	s17 =	sand.u32 $0x1, s12  }
0x21: {  	_ =	swait.ge [sflag:s4], $0x4000;
	s15 =	simm.s32 @!p0 $0x0;
	s17 =	smul.u32 $0x10200, s17  }
0x22: {  	p2 =	por $0x1, $0x1;
	[sflag:s4] =	ssyncset.done $0x0;
	s16 =	smul.u32 $0x10200, s15  }
0x23: {  	s18 =	sshll.u32 s15, $0x10;
	[sflag:s4] =	ssyncadd.s32 $0xFFFFC000;
	s30 =	sshrl.u32 s17, $0x2  }
0x24: {  	s31 =	sshrl.u32 s18, $0x2;
	s18 =	simm.s32 $0x0;
	s16 =	sshrl.u32 s16, $0x2  }
0x25: {  	s15 =	sor.u32 $0x8000, s30;
	s17 =	sadd.s32 $0x20, s31;
	s16 =	sor.u32 $0x8000, s16  }
.LBB1_3:
0x26: {  	s19 =	sshll.u32 s18, $0xD  }
0x27: {  	s19 =	sand.u32 $0x3FFFE000, s19  }
0x28: {  	s21 =	sadd.s32 s19, s17  }
0x29: {  	s31 =	smul.u32 $0x8100, s18;
	v3 =	vld [tilespmem:s21+$0x10]  }
0x2a: {  	v1 =	vld [tilespmem:s21+$0xFFFFFFF0]  }
0x2b: {  	s18 =	sshra.s32 s31, $0x2;
	v0 =	vld [tilespmem:s21+$0x0]  }
0x2c: {  	s18 =	sadd.s32 s18, s16;
	v2 =	vld [tilespmem:s21+$0xFFFFFFE0]  }
0x2d: {  	s19 =	sadd.s32 $0x0, s18  }
0x2e: {  	p1 =	por p2, p2;
	s20 =	simm.s32 $0x4;
	s21 =	sadd.s32 $0x40, s21;
	[tilespmem:s19+$0x1830 ss:$0x81] =	vst.msk $0xffff, v3  }
.LBB1_4:
0x2f: {  	v3 =	vld [tilespmem:s21+$0x10];
	p2 =	sne.s32 s20, $0x1FC;
	[tilespmem:s19+$0x810 ss:$0x81] =	vst.msk $0xffff, v1;
	s22 =	smov.u32 s20;
	s20 =	sadd.s32 $0x4, s20  }
.Ltmp3:
0x30: {  	v1 =	vld [tilespmem:s21+$0xFFFFFFF0];
	[tilespmem:s19+$0x1020 ss:$0x81] =	vst.msk $0xffff, v0;
	(pc) =	sbr.rel @p2 .LBB1_4-.Ltmp3, $4  }
0x31: {  	v0 =	vld [tilespmem:s21+$0x0];
	[tilespmem:s19+$0x0 ss:$0x81] =	vst.msk $0xffff, v2  }
0x32: {  	s19 =	sshra.s32 s22, $0x2;
	v2 =	vld [tilespmem:s21+$0xFFFFFFE0]  }
0x33: {  	s19 =	sadd.s32 s19, s18  }
0x34: {  	s21 =	sadd.s32 $0x40, s21;
	[tilespmem:s19+$0x1830 ss:$0x81] =	vst.msk $0xffff, v3  }
.Ltmp4:
0x35: {  	(pc) =	sbr.rel @p1 .LBB1_3-.Ltmp4, $4  }
0x36: {  	_ = 	snop  }
0x37: {  	[tilespmem:s19+$0x810 ss:$0x81] =	vst.msk $0xffff, v1  }
0x38: {  	[tilespmem:s19+$0x1020 ss:$0x81] =	vst.msk $0xffff, v0  }
0x39: {  	s18 =	simm.s32 $0x1;
	p2 =	por $0x0, $0x0;
	[tilespmem:s19+$0x0 ss:$0x81] =	vst.msk $0xffff, v2  }
.Ltmp5:
0x3a: {  	(pc) =	sbr.rel .LBB1_7-.Ltmp5, $4  }
0x3b: {  	s14 =	sshll.u32 s14, $0xF  }
0x3c: {  	s14 =	sadd.s32 s3, s14  }
0x3d: {  	s13 =	sadd.s32 s13, s14  }
0x3e: {  	[hbm4b:s13+s9] =	stream.strided.scatter [tilespmem:s15], [sflag:$0x2], $0x4000, s10, s9, $0x20;
	[tilespmem:$0x10100] =	vst v63  }
.LBB1_8:
0x3f: {  	_ =	sfence.sel $0x180000  }
0x40: {  	s2 =	simm.s32 $0x1;
	[bflag:$0x0] =	sbarrier.arrive $0xFFFF  }
0x41: {  	s31 =	simm.s32 $0x2;
	[sflag:s2] =	ssyncpa.u1 $0x1  }
0x42: {  	[sflag:s31] =	ssyncpa.u1 $0x1  }
0x43: {  	p0 =	sne.s32 s0, $0x0;
	_ =	strace $0x9000004D  }
0x44: {  	s0 =	sadd.s32 @!p0 $0x100000, s1;
	[bflag:$0x2] =	sbarrier.arrive $0xFFFF  }
0x45: {  	[sflag:s0] =	ssyncadd.tile.s32 @!p0 $0x1;
	_ =	shalt  }
.Lfunc_end1:
_tile_overlayer_lowered:
.L_overlay_start_2:
0x46: {  	(tag) =	ssettag $0x2  }
0x47: {  	s0 =	rddreg [dreg:$0x0];
	s2 =	stileid.u32  }
0x48: {  	s1 =	rddreg [dreg:$0x1];
	p0 =	sne.s32 s2, $0x0  }
0x49: {  	s3 =	rddreg [dreg:$0x2];
	[bflag:$0x3] =	sbarrier.arrive $0xFFFF;
	s2 =	simm.s32 @!p0 $0x1C01  }
0x4a: {  	[timem:s3], [sflag:s2] =	dma.local @!p0 [hbm:s0], s1  }
0x4b: {  	s0 =	simm.s32 @!p0 $0x1  }
0x4c: {  	_ =	swait.ge @!p0 [sflag:s0], s1  }
0x4d: {  	s1 =	ssub.s32 @!p0 $0x0, s1;
	[sflag:s0] =	ssyncset.done @!p0 $0x0  }
0x4e: {  	[sflag:s0] =	ssyncadd.s32 @!p0 s1  }
0x4f: {  	[bflag:$0x3] =	sbarrier.arrive $0xFFFF  }
0x50: {  	_ =	shalt  }

</sc_bundles>
